<compile_context>
chip_gen: v7x
topology: tpu7x:2x2x1
jax: 0.10.2.dev20260603
libtpu: 0.0.44.dev20260713+nightly
codegen_flags: <defaults>
</compile_context>

<pallas_src>
import functools

import jax
import jax.numpy as jnp
from jax import lax
from jax.experimental import pallas as pl
from jax.experimental.pallas import tpu as pltpu
from jax.experimental.pallas import tpu_sc as plsc

_DIM = 33
_CSTRIDE = _DIM ** 3
_CPAD = 36096
_PLANE = 512 * 512
_B = 16
_PPW = _B * _PLANE // 32
_CHUNK = 1024
_NCHUNK = _PPW // _CHUNK
_GROUPS = _CHUNK // 16
_SCALE = float(_DIM - 1)


def _interp_group(luts, xin, xout, o):
    rr = o >> 7
    col = o & 127
    xr = xin[0, rr, pl.ds(col, 16)]
    xg = xin[1, rr, pl.ds(col, 16)]
    xb = xin[2, rr, pl.ds(col, 16)]
    r = xr * _SCALE
    g = xg * _SCALE
    b = xb * _SCALE
    r0 = jnp.minimum(r, float(_DIM - 2)).astype(jnp.int32)
    g0 = jnp.minimum(g, float(_DIM - 2)).astype(jnp.int32)
    b0 = jnp.minimum(b, float(_DIM - 2)).astype(jnp.int32)
    fr = r - r0.astype(jnp.float32)
    fg = g - g0.astype(jnp.float32)
    fb = b - b0.astype(jnp.float32)
    base = b0 * (_DIM * _DIM) + g0 * _DIM + r0
    cg = 1.0 - fg
    cb = 1.0 - fb
    t00 = cb * cg
    t01 = cb * fg
    t10 = fb * cg
    t11 = fb * fg
    cr = 1.0 - fr
    acc = [None, None, None]
    for off, tw, fw in (
        (0, t00, cr), (1, t00, fr),
        (_DIM, t01, cr), (_DIM + 1, t01, fr),
        (_DIM * _DIM, t10, cr), (_DIM * _DIM + 1, t10, fr),
        (_DIM * _DIM + _DIM, t11, cr), (_DIM * _DIM + _DIM + 1, t11, fr),
    ):
        idx = base + off if off else base
        w = tw * fw
        for c in range(3):
            v = w * plsc.load_gather(luts[c], [idx])
            acc[c] = v if acc[c] is None else acc[c] + v
    for c in range(3):
        xout[c, rr, pl.ds(col, 16)] = acc[c]


def _body(lut_hbm, x_hbm, out_hbm, lutr, lutg, lutb, xin0, xin1, xout0, xout1,
          si0, si1, so0, so1):
    img = lax.axis_index("s")
    half = lax.axis_index("c")
    base = half * 32
    luts = (lutr, lutg, lutb)
    lut_copies = [
        pltpu.make_async_copy(
            lut_hbm.at[pl.ds(c * _CPAD, _CSTRIDE)], luts[c], so0
        )
        for c in range(3)
    ]
    for d in lut_copies:
        d.start()

    def in_copy(g, buf, sem):
        tr = base + (g >> 2)
        tc = g & 3
        return [
            pltpu.make_async_copy(
                x_hbm.at[img, :, pl.ds(tr * 8, 8), pl.ds(tc * 128, 128)],
                buf,
                sem,
            )
        ]

    def out_copy(g, buf, sem):
        tr = base + (g >> 2)
        tc = g & 3
        return [
            pltpu.make_async_copy(
                buf,
                out_hbm.at[img, :, pl.ds(tr * 8, 8), pl.ds(tc * 128, 128)],
                sem,
            )
        ]

    def compute(xin, xout):
        @plsc.parallel_loop(0, _CHUNK, step=16, unroll=2)
        def _(o):
            _interp_group(luts, xin, xout, o)

    for d in in_copy(0, xin0, si0):
        d.start()
    for d in in_copy(1, xin1, si1):
        d.start()
    for d in lut_copies:
        d.wait()

    def pair(i, carry):
        g0 = 2 * i
        for buf_i, (g, xin, xout, si, so) in enumerate(
            ((g0, xin0, xout0, si0, so0), (g0 + 1, xin1, xout1, si1, so1))
        ):
            for d in in_copy(g, xin, si):
                d.wait()

            @pl.when(i > 0)
            def _():
                for d in out_copy(g, xout, so):
                    d.wait()

            compute(xin, xout)
            for d in out_copy(g, xout, so):
                d.start()

            @pl.when(g + 2 < _NCHUNK)
            def _():
                for d in in_copy(g + 2, xin, si):
                    d.start()

        return carry

    lax.fori_loop(0, _NCHUNK // 2, pair, 0)
    for d in out_copy(_NCHUNK - 2, xout0, so0):
        d.wait()
    for d in out_copy(_NCHUNK - 1, xout1, so1):
        d.wait()


@functools.cache
def _build():
    mesh = plsc.VectorSubcoreMesh(
        core_axis_name="c", subcore_axis_name="s", num_cores=2, num_subcores=16
    )
    return pl.kernel(
        _body,
        out_type=jax.ShapeDtypeStruct((_B, 3, 512, 512), jnp.float32),
        mesh=mesh,
        scratch_types=[
            pltpu.VMEM((_CSTRIDE,), jnp.float32),
            pltpu.VMEM((_CSTRIDE,), jnp.float32),
            pltpu.VMEM((_CSTRIDE,), jnp.float32),
            pltpu.VMEM((3, 8, 128), jnp.float32),
            pltpu.VMEM((3, 8, 128), jnp.float32),
            pltpu.VMEM((3, 8, 128), jnp.float32),
            pltpu.VMEM((3, 8, 128), jnp.float32),
            pltpu.SemaphoreType.DMA,
            pltpu.SemaphoreType.DMA,
            pltpu.SemaphoreType.DMA,
            pltpu.SemaphoreType.DMA,
        ],
        compiler_params=pltpu.CompilerParams(
            needs_layout_passes=False, use_tc_tiling_on_sc=True
        ),
    )


@jax.jit
def kernel(lut, x):
    lut_pad = (
        jnp.zeros((3, _CPAD), jnp.float32)
        .at[:, :_CSTRIDE]
        .set(lut.reshape(3, _CSTRIDE))
        .reshape(3 * _CPAD)
    )
    return _build()(lut_pad, x)

# --- scband reference (transcript-rebuilt; emitter-appended) ---
"""Pipeline reference for scband-generator3-dlut-39822936768697 (READ-ONLY COPY).

The authoritative reference and input builder live on the scoring server;
editing this copy changes nothing except your own understanding.
"""

import jax, jax.numpy as jnp
import numpy as np

DIM = 33

def generate_identity_lut(dim):
    step = 1.0 / float(dim - 1)
    coords = np.arange(dim, dtype=np.float32) * step
    b, g, r = np.meshgrid(coords, coords, coords, indexing='ij')
    # lut[0, b, g, r] = step*r ; lut[1, b, g, r] = step*g ; lut[2, b, g, r] = step*b
    return np.stack([r, g, b], axis=0).astype(np.float32)

def setup_inputs(seed: int = 0) -> dict:
    key = jax.random.key(seed)
    x = jax.random.uniform(key, (16, 3, 512, 512), dtype=jnp.float32)
    lut = jnp.asarray(generate_identity_lut(DIM))
    return {"lut": lut, "x": x}

def _trilinear(lut, x):
    dim = lut.shape[1]
    scale = dim - 1
    # channels: 0 -> r, 1 -> g, 2 -> b
    r = x[:, 0] * scale
    g = x[:, 1] * scale
    b = x[:, 2] * scale
    r0 = jnp.clip(jnp.floor(r), 0, dim - 2).astype(jnp.int32)
    g0 = jnp.clip(jnp.floor(g), 0, dim - 2).astype(jnp.int32)
    b0 = jnp.clip(jnp.floor(b), 0, dim - 2).astype(jnp.int32)
    fr = r - r0.astype(x.dtype)
    fg = g - g0.astype(x.dtype)
    fb = b - b0.astype(x.dtype)
    lut_flat = lut.reshape(3, -1)
    def gather(bi, gi, ri):
        idx = (bi * dim + gi) * dim + ri
        return jnp.take(lut_flat, idx, axis=1)  # (3, B, H, W)
    c000 = gather(b0, g0, r0)
    c001 = gather(b0, g0, r0 + 1)
    c010 = gather(b0, g0 + 1, r0)
    c011 = gather(b0, g0 + 1, r0 + 1)
    c100 = gather(b0 + 1, g0, r0)
    c101 = gather(b0 + 1, g0, r0 + 1)
    c110 = gather(b0 + 1, g0 + 1, r0)
    c111 = gather(b0 + 1, g0 + 1, r0 + 1)
    fr_ = fr[None]; fg_ = fg[None]; fb_ = fb[None]
    out = (c000 * (1 - fb_) * (1 - fg_) * (1 - fr_)
           + c001 * (1 - fb_) * (1 - fg_) * fr_
           + c010 * (1 - fb_) * fg_ * (1 - fr_)
           + c011 * (1 - fb_) * fg_ * fr_
           + c100 * fb_ * (1 - fg_) * (1 - fr_)
           + c101 * fb_ * (1 - fg_) * fr_
           + c110 * fb_ * fg_ * (1 - fr_)
           + c111 * fb_ * fg_ * fr_)
    return jnp.transpose(out, (1, 0, 2, 3))  # (B, 3, H, W)

def reference(lut, x):
    return _trilinear(lut, x)

if __name__ == "__main__":
    import jax
    _d = setup_inputs()
    print(jax.jit(kernel)(*tuple(_d.values())))

</pallas_src>

<mosaic_0001>
#map = affine_map<(d0, d1) -> (0)>
#map1 = affine_map<(d0, d1) -> (0, 0, 0, 0)>
module attributes {stable_mosaic.version = 14 : i64} {
  func.func @_body(%arg0: i32, %arg1: i32, %arg2: memref<108288xf32, #tpu.memory_space<hbm>>, %arg3: memref<16x3x512x512xf32, #tpu.memory_space<hbm>>, %arg4: memref<16x3x512x512xf32, #tpu.memory_space<hbm>>, %arg5: memref<35937xf32, #tpu.memory_space<vmem>>, %arg6: memref<35937xf32, #tpu.memory_space<vmem>>, %arg7: memref<35937xf32, #tpu.memory_space<vmem>>, %arg8: memref<3x8x128xf32, #tpu.memory_space<vmem>>, %arg9: memref<3x8x128xf32, #tpu.memory_space<vmem>>, %arg10: memref<3x8x128xf32, #tpu.memory_space<vmem>>, %arg11: memref<3x8x128xf32, #tpu.memory_space<vmem>>, %arg12: memref<!tpu.dma_semaphore, #tpu.memory_space<semaphore_mem>>, %arg13: memref<!tpu.dma_semaphore, #tpu.memory_space<semaphore_mem>>, %arg14: memref<!tpu.dma_semaphore, #tpu.memory_space<semaphore_mem>>, %arg15: memref<!tpu.dma_semaphore, #tpu.memory_space<semaphore_mem>>) attributes {dimension_semantics = [#tpu.dimension_semantics<core_parallel>, #tpu.dimension_semantics<subcore_parallel>], iteration_bounds = array<i64: 2, 16>, scalar_prefetch = 0 : i64, scratch_operands = 11 : i64, tpu.core_type = #tpu.core_type<sc_vector_subcore>, window_params = [{transform_indices = #map}, {transform_indices = #map1}, {transform_indices = #map1}]} {
    %mul3A = arith.constant 32 : i32
    %mul3A_0 = arith.muli %arg0, %mul3A : i32
    %dma_start3A = arith.constant 0 : i32
    %dma_start3A_1 = tpu.memref_slice %arg2[%dma_start3A] : memref<108288xf32, #tpu.memory_space<hbm>> -> memref<35937xf32, #tpu.memory_space<hbm>>
    %dma_start3A_2 = arith.constant 0 : i32
    %dma_start3A_3 = tpu.memref_slice %arg2[%dma_start3A_2] : memref<108288xf32, #tpu.memory_space<hbm>> -> memref<35937xf32, #tpu.memory_space<hbm>>
    tpu.enqueue_dma source(%dma_start3A_3 : memref<35937xf32, #tpu.memory_space<hbm>>) target(%arg5 : memref<35937xf32, #tpu.memory_space<vmem>>) target_semaphore(%arg14 : memref<!tpu.dma_semaphore, #tpu.memory_space<semaphore_mem>>)
    %dma_start3A_4 = arith.constant 36096 : i32
    %dma_start3A_5 = tpu.memref_slice %arg2[%dma_start3A_4] : memref<108288xf32, #tpu.memory_space<hbm>> -> memref<35937xf32, #tpu.memory_space<hbm>>
    %dma_start3A_6 = arith.constant 36096 : i32
    %dma_start3A_7 = tpu.memref_slice %arg2[%dma_start3A_6] : memref<108288xf32, #tpu.memory_space<hbm>> -> memref<35937xf32, #tpu.memory_space<hbm>>
    tpu.enqueue_dma source(%dma_start3A_7 : memref<35937xf32, #tpu.memory_space<hbm>>) target(%arg6 : memref<35937xf32, #tpu.memory_space<vmem>>) target_semaphore(%arg14 : memref<!tpu.dma_semaphore, #tpu.memory_space<semaphore_mem>>)
    %dma_start3A_8 = arith.constant 72192 : i32
    %dma_start3A_9 = tpu.memref_slice %arg2[%dma_start3A_8] : memref<108288xf32, #tpu.memory_space<hbm>> -> memref<35937xf32, #tpu.memory_space<hbm>>
    %dma_start3A_10 = arith.constant 72192 : i32
    %dma_start3A_11 = tpu.memref_slice %arg2[%dma_start3A_10] : memref<108288xf32, #tpu.memory_space<hbm>> -> memref<35937xf32, #tpu.memory_space<hbm>>
    tpu.enqueue_dma source(%dma_start3A_11 : memref<35937xf32, #tpu.memory_space<hbm>>) target(%arg7 : memref<35937xf32, #tpu.memory_space<vmem>>) target_semaphore(%arg14 : memref<!tpu.dma_semaphore, #tpu.memory_space<semaphore_mem>>)
    %add3A = arith.constant 0 : i32
    %add3A_12 = arith.addi %mul3A_0, %add3A : i32
    %mul3A_13 = arith.constant 8 : i32
    %mul3A_14 = arith.muli %add3A_12, %mul3A_13 : i32
    %dma_start3A_15 = arith.constant 0 : i32
    %dma_start3A_16 = arith.constant 0 : i32
    %dma_start3A_17 = tpu.memref_slice %arg3[%arg1, %dma_start3A_15, %mul3A_14, %dma_start3A_16] : memref<16x3x512x512xf32, #tpu.memory_space<hbm>> -> memref<1x3x8x128xf32, #tpu.memory_space<hbm>>
    %dma_start3A_18 = tpu.memref_squeeze %dma_start3A_17 : memref<1x3x8x128xf32, #tpu.memory_space<hbm>> -> memref<3x8x128xf32, #tpu.memory_space<hbm>>
    %dma_start3A_19 = arith.constant 0 : i32
    %dma_start3A_20 = arith.constant 0 : i32
    %dma_start3A_21 = tpu.memref_slice %arg3[%arg1, %dma_start3A_19, %mul3A_14, %dma_start3A_20] : memref<16x3x512x512xf32, #tpu.memory_space<hbm>> -> memref<1x3x8x128xf32, #tpu.memory_space<hbm>>
    %dma_start3A_22 = tpu.memref_squeeze %dma_start3A_21 : memref<1x3x8x128xf32, #tpu.memory_space<hbm>> -> memref<3x8x128xf32, #tpu.memory_space<hbm>>
    tpu.enqueue_dma source(%dma_start3A_22 : memref<3x8x128xf32, #tpu.memory_space<hbm>>) target(%arg8 : memref<3x8x128xf32, #tpu.memory_space<vmem>>) target_semaphore(%arg12 : memref<!tpu.dma_semaphore, #tpu.memory_space<semaphore_mem>>)
    %add3A_23 = arith.constant 0 : i32
    %add3A_24 = arith.addi %mul3A_0, %add3A_23 : i32
    %mul3A_25 = arith.constant 8 : i32
    %mul3A_26 = arith.muli %add3A_24, %mul3A_25 : i32
    %dma_start3A_27 = arith.constant 0 : i32
    %dma_start3A_28 = arith.constant 128 : i32
    %dma_start3A_29 = tpu.memref_slice %arg3[%arg1, %dma_start3A_27, %mul3A_26, %dma_start3A_28] : memref<16x3x512x512xf32, #tpu.memory_space<hbm>> -> memref<1x3x8x128xf32, #tpu.memory_space<hbm>>
    %dma_start3A_30 = tpu.memref_squeeze %dma_start3A_29 : memref<1x3x8x128xf32, #tpu.memory_space<hbm>> -> memref<3x8x128xf32, #tpu.memory_space<hbm>>
    %dma_start3A_31 = arith.constant 0 : i32
    %dma_start3A_32 = arith.constant 128 : i32
    %dma_start3A_33 = tpu.memref_slice %arg3[%arg1, %dma_start3A_31, %mul3A_26, %dma_start3A_32] : memref<16x3x512x512xf32, #tpu.memory_space<hbm>> -> memref<1x3x8x128xf32, #tpu.memory_space<hbm>>
    %dma_start3A_34 = tpu.memref_squeeze %dma_start3A_33 : memref<1x3x8x128xf32, #tpu.memory_space<hbm>> -> memref<3x8x128xf32, #tpu.memory_space<hbm>>
    tpu.enqueue_dma source(%dma_start3A_34 : memref<3x8x128xf32, #tpu.memory_space<hbm>>) target(%arg9 : memref<3x8x128xf32, #tpu.memory_space<vmem>>) target_semaphore(%arg13 : memref<!tpu.dma_semaphore, #tpu.memory_space<semaphore_mem>>)
    %dma_wait3A = arith.constant 0 : i32
    %dma_wait3A_35 = tpu.memref_slice %arg2[%dma_wait3A] : memref<108288xf32, #tpu.memory_space<hbm>> -> memref<35937xf32, #tpu.memory_space<hbm>>
    %dma_wait3A_36 = arith.constant 0 : i32
    %dma_wait3A_37 = tpu.memref_slice %arg2[%dma_wait3A_36] : memref<108288xf32, #tpu.memory_space<hbm>> -> memref<35937xf32, #tpu.memory_space<hbm>>
    tpu.wait_dma2 semaphore(%arg14 : memref<!tpu.dma_semaphore, #tpu.memory_space<semaphore_mem>>) src(%dma_wait3A_37 : memref<35937xf32, #tpu.memory_space<hbm>>) dst(%arg5 : memref<35937xf32, #tpu.memory_space<vmem>>)
    %dma_wait3A_38 = arith.constant 36096 : i32
    %dma_wait3A_39 = tpu.memref_slice %arg2[%dma_wait3A_38] : memref<108288xf32, #tpu.memory_space<hbm>> -> memref<35937xf32, #tpu.memory_space<hbm>>
    %dma_wait3A_40 = arith.constant 36096 : i32
    %dma_wait3A_41 = tpu.memref_slice %arg2[%dma_wait3A_40] : memref<108288xf32, #tpu.memory_space<hbm>> -> memref<35937xf32, #tpu.memory_space<hbm>>
    tpu.wait_dma2 semaphore(%arg14 : memref<!tpu.dma_semaphore, #tpu.memory_space<semaphore_mem>>) src(%dma_wait3A_41 : memref<35937xf32, #tpu.memory_space<hbm>>) dst(%arg6 : memref<35937xf32, #tpu.memory_space<vmem>>)
    %dma_wait3A_42 = arith.constant 72192 : i32
    %dma_wait3A_43 = tpu.memref_slice %arg2[%dma_wait3A_42] : memref<108288xf32, #tpu.memory_space<hbm>> -> memref<35937xf32, #tpu.memory_space<hbm>>
    %dma_wait3A_44 = arith.constant 72192 : i32
    %dma_wait3A_45 = tpu.memref_slice %arg2[%dma_wait3A_44] : memref<108288xf32, #tpu.memory_space<hbm>> -> memref<35937xf32, #tpu.memory_space<hbm>>
    tpu.wait_dma2 semaphore(%arg14 : memref<!tpu.dma_semaphore, #tpu.memory_space<semaphore_mem>>) src(%dma_wait3A_45 : memref<35937xf32, #tpu.memory_space<hbm>>) dst(%arg7 : memref<35937xf32, #tpu.memory_space<vmem>>)
    %scan3A = arith.constant 0 : i32
    %scan3A_46 = arith.constant 0 : i32
    %scan3A_47 = arith.constant 64 : i32
    %scan3A_48 = arith.addi %scan3A_46, %scan3A_47 : i32
    %scan3A_49 = arith.constant 1 : i32
    scf.for %scan3A_75 = %scan3A_46 to %scan3A_48 step %scan3A_49  : i32 {
      %mul3A_76 = arith.constant 2 : i32
      %mul3A_77 = arith.muli %mul3A_76, %scan3A_75 : i32
      %add3A_78 = arith.constant 1 : i32
      %add3A_79 = arith.addi %mul3A_77, %add3A_78 : i32
      %shift_right_arithmetic3A = arith.constant 2 : i32
      %shift_right_arithmetic3A_80 = arith.shrsi %mul3A_77, %shift_right_arithmetic3A : i32
      %add3A_81 = arith.addi %mul3A_0, %shift_right_arithmetic3A_80 : i32
      %and3A = arith.constant 3 : i32
      %and3A_82 = arith.andi %mul3A_77, %and3A : i32
      %mul3A_83 = arith.constant 8 : i32
      %mul3A_84 = arith.muli %add3A_81, %mul3A_83 : i32
      %mul3A_85 = arith.constant 128 : i32
      %mul3A_86 = arith.muli %and3A_82, %mul3A_85 : i32
      %dma_wait3A_87 = arith.constant 0 : i32
      %dma_wait3A_88 = tpu.memref_slice %arg3[%arg1, %dma_wait3A_87, %mul3A_84, %mul3A_86] : memref<16x3x512x512xf32, #tpu.memory_space<hbm>> -> memref<1x3x8x128xf32, #tpu.memory_space<hbm>>
      %dma_wait3A_89 = tpu.memref_squeeze %dma_wait3A_88 : memref<1x3x8x128xf32, #tpu.memory_space<hbm>> -> memref<3x8x128xf32, #tpu.memory_space<hbm>>
      %dma_wait3A_90 = arith.constant 0 : i32
      %dma_wait3A_91 = tpu.memref_slice %arg3[%arg1, %dma_wait3A_90, %mul3A_84, %mul3A_86] : memref<16x3x512x512xf32, #tpu.memory_space<hbm>> -> memref<1x3x8x128xf32, #tpu.memory_space<hbm>>
      %dma_wait3A_92 = tpu.memref_squeeze %dma_wait3A_91 : memref<1x3x8x128xf32, #tpu.memory_space<hbm>> -> memref<3x8x128xf32, #tpu.memory_space<hbm>>
      tpu.wait_dma2 semaphore(%arg12 : memref<!tpu.dma_semaphore, #tpu.memory_space<semaphore_mem>>) src(%dma_wait3A_92 : memref<3x8x128xf32, #tpu.memory_space<hbm>>) dst(%arg8 : memref<3x8x128xf32, #tpu.memory_space<vmem>>)
      %gt3A = arith.constant 0 : i32
      %gt3A_93 = arith.cmpi sgt, %scan3A_75, %gt3A : i32
      %convert_element_type3A = arith.extui %gt3A_93 : i1 to i32
      %cond3A = arith.constant 0 : i32
      %cond3A_94 = arith.cmpi ne, %convert_element_type3A, %cond3A : i32
      scf.if %cond3A_94 {
        %shift_right_arithmetic3A_163 = arith.constant 2 : i32
        %shift_right_arithmetic3A_164 = arith.shrsi %mul3A_77, %shift_right_arithmetic3A_163 : i32
        %add3A_165 = arith.addi %mul3A_0, %shift_right_arithmetic3A_164 : i32
        %and3A_166 = arith.constant 3 : i32
        %and3A_167 = arith.andi %mul3A_77, %and3A_166 : i32
        %mul3A_168 = arith.constant 8 : i32
        %mul3A_169 = arith.muli %add3A_165, %mul3A_168 : i32
        %mul3A_170 = arith.constant 128 : i32
        %mul3A_171 = arith.muli %and3A_167, %mul3A_170 : i32
        %dma_wait3A_172 = arith.constant 0 : i32
        %dma_wait3A_173 = tpu.memref_slice %arg4[%arg1, %dma_wait3A_172, %mul3A_169, %mul3A_171] : memref<16x3x512x512xf32, #tpu.memory_space<hbm>> -> memref<1x3x8x128xf32, #tpu.memory_space<hbm>>
        %dma_wait3A_174 = tpu.memref_squeeze %dma_wait3A_173 : memref<1x3x8x128xf32, #tpu.memory_space<hbm>> -> memref<3x8x128xf32, #tpu.memory_space<hbm>>
        %dma_wait3A_175 = arith.constant 0 : i32
        %dma_wait3A_176 = tpu.memref_slice %arg4[%arg1, %dma_wait3A_175, %mul3A_169, %mul3A_171] : memref<16x3x512x512xf32, #tpu.memory_space<hbm>> -> memref<1x3x8x128xf32, #tpu.memory_space<hbm>>
        %dma_wait3A_177 = tpu.memref_squeeze %dma_wait3A_176 : memref<1x3x8x128xf32, #tpu.memory_space<hbm>> -> memref<3x8x128xf32, #tpu.memory_space<hbm>>
        tpu.wait_dma2 semaphore(%arg14 : memref<!tpu.dma_semaphore, #tpu.memory_space<semaphore_mem>>) src(%arg10 : memref<3x8x128xf32, #tpu.memory_space<vmem>>) dst(%dma_wait3A_177 : memref<3x8x128xf32, #tpu.memory_space<hbm>>)
      } else {
      }
      %parallel_loop3A = arith.constant 0 : i32
      %parallel_loop3A_95 = arith.constant 1024 : i32
      %parallel_loop3A_96 = arith.constant 16 : i32
      scf.for %parallel_loop3A_163 = %parallel_loop3A to %parallel_loop3A_95 step %parallel_loop3A_96  : i32 {
        %parallel_loop3A_164 = arith.constant 7 : i32
        %parallel_loop3A_165 = arith.shrsi %parallel_loop3A_163, %parallel_loop3A_164 : i32
        %parallel_loop3A_166 = arith.constant 127 : i32
        %parallel_loop3A_167 = arith.andi %parallel_loop3A_163, %parallel_loop3A_166 : i32
        %parallel_loop3A_168 = arith.constant 0 : i32
        %parallel_loop3A_169 = arith.index_cast %parallel_loop3A_168 : i32 to index
        %parallel_loop3A_170 = arith.index_cast %parallel_loop3A_165 : i32 to index
        %parallel_loop3A_171 = arith.index_cast %parallel_loop3A_167 : i32 to index
        %parallel_loop3A_172 = tpu.vector_load %arg8[%parallel_loop3A_169, %parallel_loop3A_170, %parallel_loop3A_171] {strides = array<i32>} : memref<3x8x128xf32, #tpu.memory_space<vmem>>, vector<16xf32>,
        %parallel_loop3A_173 = arith.constant 1 : i32
        %parallel_loop3A_174 = arith.index_cast %parallel_loop3A_173 : i32 to index
        %parallel_loop3A_175 = arith.index_cast %parallel_loop3A_165 : i32 to index
        %parallel_loop3A_176 = arith.index_cast %parallel_loop3A_167 : i32 to index
        %parallel_loop3A_177 = tpu.vector_load %arg8[%parallel_loop3A_174, %parallel_loop3A_175, %parallel_loop3A_176] {strides = array<i32>} : memref<3x8x128xf32, #tpu.memory_space<vmem>>, vector<16xf32>,
        %parallel_loop3A_178 = arith.constant 2 : i32
        %parallel_loop3A_179 = arith.index_cast %parallel_loop3A_178 : i32 to index
        %parallel_loop3A_180 = arith.index_cast %parallel_loop3A_165 : i32 to index
        %parallel_loop3A_181 = arith.index_cast %parallel_loop3A_167 : i32 to index
        %parallel_loop3A_182 = tpu.vector_load %arg8[%parallel_loop3A_179, %parallel_loop3A_180, %parallel_loop3A_181] {strides = array<i32>} : memref<3x8x128xf32, #tpu.memory_space<vmem>>, vector<16xf32>,
        %parallel_loop3A_183 = arith.constant 3.200000e+01 : f32
        %parallel_loop3A_184 = vector.broadcast %parallel_loop3A_183 : f32 to vector<16xf32>
        %parallel_loop3A_185 = arith.mulf %parallel_loop3A_172, %parallel_loop3A_184 : vector<16xf32>
        %parallel_loop3A_186 = arith.constant 3.200000e+01 : f32
        %parallel_loop3A_187 = vector.broadcast %parallel_loop3A_186 : f32 to vector<16xf32>
        %parallel_loop3A_188 = arith.mulf %parallel_loop3A_177, %parallel_loop3A_187 : vector<16xf32>
        %parallel_loop3A_189 = arith.constant 3.200000e+01 : f32
        %parallel_loop3A_190 = vector.broadcast %parallel_loop3A_189 : f32 to vector<16xf32>
        %parallel_loop3A_191 = arith.mulf %parallel_loop3A_182, %parallel_loop3A_190 : vector<16xf32>
        %parallel_loop3A_192 = arith.constant 3.100000e+01 : f32
        %parallel_loop3A_193 = vector.broadcast %parallel_loop3A_192 : f32 to vector<16xf32>
        %parallel_loop3A_194 = arith.minimumf %parallel_loop3A_185, %parallel_loop3A_193 : vector<16xf32>
        %parallel_loop3A_195 = arith.fptosi %parallel_loop3A_194 : vector<16xf32> to vector<16xi32>
        %parallel_loop3A_196 = arith.constant 3.100000e+01 : f32
        %parallel_loop3A_197 = vector.broadcast %parallel_loop3A_196 : f32 to vector<16xf32>
        %parallel_loop3A_198 = arith.minimumf %parallel_loop3A_188, %parallel_loop3A_197 : vector<16xf32>
        %parallel_loop3A_199 = arith.fptosi %parallel_loop3A_198 : vector<16xf32> to vector<16xi32>
        %parallel_loop3A_200 = arith.constant 3.100000e+01 : f32
        %parallel_loop3A_201 = vector.broadcast %parallel_loop3A_200 : f32 to vector<16xf32>
        %parallel_loop3A_202 = arith.minimumf %parallel_loop3A_191, %parallel_loop3A_201 : vector<16xf32>
        %parallel_loop3A_203 = arith.fptosi %parallel_loop3A_202 : vector<16xf32> to vector<16xi32>
        %parallel_loop3A_204 = arith.sitofp %parallel_loop3A_195 : vector<16xi32> to vector<16xf32>
        %parallel_loop3A_205 = arith.subf %parallel_loop3A_185, %parallel_loop3A_204 : vector<16xf32>
        %parallel_loop3A_206 = arith.sitofp %parallel_loop3A_199 : vector<16xi32> to vector<16xf32>
        %parallel_loop3A_207 = arith.subf %parallel_loop3A_188, %parallel_loop3A_206 : vector<16xf32>
        %parallel_loop3A_208 = arith.sitofp %parallel_loop3A_203 : vector<16xi32> to vector<16xf32>
        %parallel_loop3A_209 = arith.subf %parallel_loop3A_191, %parallel_loop3A_208 : vector<16xf32>
        %parallel_loop3A_210 = arith.constant 1089 : i32
        %parallel_loop3A_211 = vector.broadcast %parallel_loop3A_210 : i32 to vector<16xi32>
        %parallel_loop3A_212 = arith.muli %parallel_loop3A_203, %parallel_loop3A_211 : vector<16xi32>
        %parallel_loop3A_213 = arith.constant 33 : i32
        %parallel_loop3A_214 = vector.broadcast %parallel_loop3A_213 : i32 to vector<16xi32>
        %parallel_loop3A_215 = arith.muli %parallel_loop3A_199, %parallel_loop3A_214 : vector<16xi32>
        %parallel_loop3A_216 = arith.addi %parallel_loop3A_212, %parallel_loop3A_215 : vector<16xi32>
        %parallel_loop3A_217 = arith.addi %parallel_loop3A_216, %parallel_loop3A_195 : vector<16xi32>
        %parallel_loop3A_218 = arith.constant 1.000000e+00 : f32
        %parallel_loop3A_219 = vector.broadcast %parallel_loop3A_218 : f32 to vector<16xf32>
        %parallel_loop3A_220 = arith.subf %parallel_loop3A_219, %parallel_loop3A_207 : vector<16xf32>
        %parallel_loop3A_221 = arith.constant 1.000000e+00 : f32
        %parallel_loop3A_222 = vector.broadcast %parallel_loop3A_221 : f32 to vector<16xf32>
        %parallel_loop3A_223 = arith.subf %parallel_loop3A_222, %parallel_loop3A_209 : vector<16xf32>
        %parallel_loop3A_224 = arith.mulf %parallel_loop3A_223, %parallel_loop3A_220 : vector<16xf32>
        %parallel_loop3A_225 = arith.mulf %parallel_loop3A_223, %parallel_loop3A_207 : vector<16xf32>
        %parallel_loop3A_226 = arith.mulf %parallel_loop3A_209, %parallel_loop3A_220 : vector<16xf32>
        %parallel_loop3A_227 = arith.mulf %parallel_loop3A_209, %parallel_loop3A_207 : vector<16xf32>
        %parallel_loop3A_228 = arith.constant 1.000000e+00 : f32
        %parallel_loop3A_229 = vector.broadcast %parallel_loop3A_228 : f32 to vector<16xf32>
        %parallel_loop3A_230 = arith.subf %parallel_loop3A_229, %parallel_loop3A_205 : vector<16xf32>
        %parallel_loop3A_231 = arith.mulf %parallel_loop3A_224, %parallel_loop3A_230 : vector<16xf32>
        %parallel_loop3A_232 = tpu.vector_load_idx %arg5[%parallel_loop3A_217] : memref<35937xf32, #tpu.memory_space<vmem>>[vector<16xi32>], vector<16xf32>,
        %parallel_loop3A_233 = arith.mulf %parallel_loop3A_231, %parallel_loop3A_232 : vector<16xf32>
        %parallel_loop3A_234 = tpu.vector_load_idx %arg6[%parallel_loop3A_217] : memref<35937xf32, #tpu.memory_space<vmem>>[vector<16xi32>], vector<16xf32>,
        %parallel_loop3A_235 = arith.mulf %parallel_loop3A_231, %parallel_loop3A_234 : vector<16xf32>
        %parallel_loop3A_236 = tpu.vector_load_idx %arg7[%parallel_loop3A_217] : memref<35937xf32, #tpu.memory_space<vmem>>[vector<16xi32>], vector<16xf32>,
        %parallel_loop3A_237 = arith.mulf %parallel_loop3A_231, %parallel_loop3A_236 : vector<16xf32>
        %parallel_loop3A_238 = arith.constant 1 : i32
        %parallel_loop3A_239 = vector.broadcast %parallel_loop3A_238 : i32 to vector<16xi32>
        %parallel_loop3A_240 = arith.addi %parallel_loop3A_217, %parallel_loop3A_239 : vector<16xi32>
        %parallel_loop3A_241 = arith.mulf %parallel_loop3A_224, %parallel_loop3A_205 : vector<16xf32>
        %parallel_loop3A_242 = tpu.vector_load_idx %arg5[%parallel_loop3A_240] : memref<35937xf32, #tpu.memory_space<vmem>>[vector<16xi32>], vector<16xf32>,
        %parallel_loop3A_243 = arith.mulf %parallel_loop3A_241, %parallel_loop3A_242 : vector<16xf32>
        %parallel_loop3A_244 = arith.addf %parallel_loop3A_233, %parallel_loop3A_243 : vector<16xf32>
        %parallel_loop3A_245 = tpu.vector_load_idx %arg6[%parallel_loop3A_240] : memref<35937xf32, #tpu.memory_space<vmem>>[vector<16xi32>], vector<16xf32>,
        %parallel_loop3A_246 = arith.mulf %parallel_loop3A_241, %parallel_loop3A_245 : vector<16xf32>
        %parallel_loop3A_247 = arith.addf %parallel_loop3A_235, %parallel_loop3A_246 : vector<16xf32>
        %parallel_loop3A_248 = tpu.vector_load_idx %arg7[%parallel_loop3A_240] : memref<35937xf32, #tpu.memory_space<vmem>>[vector<16xi32>], vector<16xf32>,
        %parallel_loop3A_249 = arith.mulf %parallel_loop3A_241, %parallel_loop3A_248 : vector<16xf32>
        %parallel_loop3A_250 = arith.addf %parallel_loop3A_237, %parallel_loop3A_249 : vector<16xf32>
        %parallel_loop3A_251 = arith.constant 33 : i32
        %parallel_loop3A_252 = vector.broadcast %parallel_loop3A_251 : i32 to vector<16xi32>
        %parallel_loop3A_253 = arith.addi %parallel_loop3A_217, %parallel_loop3A_252 : vector<16xi32>
        %parallel_loop3A_254 = arith.mulf %parallel_loop3A_225, %parallel_loop3A_230 : vector<16xf32>
        %parallel_loop3A_255 = tpu.vector_load_idx %arg5[%parallel_loop3A_253] : memref<35937xf32, #tpu.memory_space<vmem>>[vector<16xi32>], vector<16xf32>,
        %parallel_loop3A_256 = arith.mulf %parallel_loop3A_254, %parallel_loop3A_255 : vector<16xf32>
        %parallel_loop3A_257 = arith.addf %parallel_loop3A_244, %parallel_loop3A_256 : vector<16xf32>
        %parallel_loop3A_258 = tpu.vector_load_idx %arg6[%parallel_loop3A_253] : memref<35937xf32, #tpu.memory_space<vmem>>[vector<16xi32>], vector<16xf32>,
        %parallel_loop3A_259 = arith.mulf %parallel_loop3A_254, %parallel_loop3A_258 : vector<16xf32>
        %parallel_loop3A_260 = arith.addf %parallel_loop3A_247, %parallel_loop3A_259 : vector<16xf32>
        %parallel_loop3A_261 = tpu.vector_load_idx %arg7[%parallel_loop3A_253] : memref<35937xf32, #tpu.memory_space<vmem>>[vector<16xi32>], vector<16xf32>,
        %parallel_loop3A_262 = arith.mulf %parallel_loop3A_254, %parallel_loop3A_261 : vector<16xf32>
        %parallel_loop3A_263 = arith.addf %parallel_loop3A_250, %parallel_loop3A_262 : vector<16xf32>
        %parallel_loop3A_264 = arith.constant 34 : i32
        %parallel_loop3A_265 = vector.broadcast %parallel_loop3A_264 : i32 to vector<16xi32>
        %parallel_loop3A_266 = arith.addi %parallel_loop3A_217, %parallel_loop3A_265 : vector<16xi32>
        %parallel_loop3A_267 = arith.mulf %parallel_loop3A_225, %parallel_loop3A_205 : vector<16xf32>
        %parallel_loop3A_268 = tpu.vector_load_idx %arg5[%parallel_loop3A_266] : memref<35937xf32, #tpu.memory_space<vmem>>[vector<16xi32>], vector<16xf32>,
        %parallel_loop3A_269 = arith.mulf %parallel_loop3A_267, %parallel_loop3A_268 : vector<16xf32>
        %parallel_loop3A_270 = arith.addf %parallel_loop3A_257, %parallel_loop3A_269 : vector<16xf32>
        %parallel_loop3A_271 = tpu.vector_load_idx %arg6[%parallel_loop3A_266] : memref<35937xf32, #tpu.memory_space<vmem>>[vector<16xi32>], vector<16xf32>,
        %parallel_loop3A_272 = arith.mulf %parallel_loop3A_267, %parallel_loop3A_271 : vector<16xf32>
        %parallel_loop3A_273 = arith.addf %parallel_loop3A_260, %parallel_loop3A_272 : vector<16xf32>
        %parallel_loop3A_274 = tpu.vector_load_idx %arg7[%parallel_loop3A_266] : memref<35937xf32, #tpu.memory_space<vmem>>[vector<16xi32>], vector<16xf32>,
        %parallel_loop3A_275 = arith.mulf %parallel_loop3A_267, %parallel_loop3A_274 : vector<16xf32>
        %parallel_loop3A_276 = arith.addf %parallel_loop3A_263, %parallel_loop3A_275 : vector<16xf32>
        %parallel_loop3A_277 = arith.constant 1089 : i32
        %parallel_loop3A_278 = vector.broadcast %parallel_loop3A_277 : i32 to vector<16xi32>
        %parallel_loop3A_279 = arith.addi %parallel_loop3A_217, %parallel_loop3A_278 : vector<16xi32>
        %parallel_loop3A_280 = arith.mulf %parallel_loop3A_226, %parallel_loop3A_230 : vector<16xf32>
        %parallel_loop3A_281 = tpu.vector_load_idx %arg5[%parallel_loop3A_279] : memref<35937xf32, #tpu.memory_space<vmem>>[vector<16xi32>], vector<16xf32>,
        %parallel_loop3A_282 = arith.mulf %parallel_loop3A_280, %parallel_loop3A_281 : vector<16xf32>
        %parallel_loop3A_283 = arith.addf %parallel_loop3A_270, %parallel_loop3A_282 : vector<16xf32>
        %parallel_loop3A_284 = tpu.vector_load_idx %arg6[%parallel_loop3A_279] : memref<35937xf32, #tpu.memory_space<vmem>>[vector<16xi32>], vector<16xf32>,
        %parallel_loop3A_285 = arith.mulf %parallel_loop3A_280, %parallel_loop3A_284 : vector<16xf32>
        %parallel_loop3A_286 = arith.addf %parallel_loop3A_273, %parallel_loop3A_285 : vector<16xf32>
        %parallel_loop3A_287 = tpu.vector_load_idx %arg7[%parallel_loop3A_279] : memref<35937xf32, #tpu.memory_space<vmem>>[vector<16xi32>], vector<16xf32>,
        %parallel_loop3A_288 = arith.mulf %parallel_loop3A_280, %parallel_loop3A_287 : vector<16xf32>
        %parallel_loop3A_289 = arith.addf %parallel_loop3A_276, %parallel_loop3A_288 : vector<16xf32>
        %parallel_loop3A_290 = arith.constant 1090 : i32
        %parallel_loop3A_291 = vector.broadcast %parallel_loop3A_290 : i32 to vector<16xi32>
        %parallel_loop3A_292 = arith.addi %parallel_loop3A_217, %parallel_loop3A_291 : vector<16xi32>
        %parallel_loop3A_293 = arith.mulf %parallel_loop3A_226, %parallel_loop3A_205 : vector<16xf32>
        %parallel_loop3A_294 = tpu.vector_load_idx %arg5[%parallel_loop3A_292] : memref<35937xf32, #tpu.memory_space<vmem>>[vector<16xi32>], vector<16xf32>,
        %parallel_loop3A_295 = arith.mulf %parallel_loop3A_293, %parallel_loop3A_294 : vector<16xf32>
        %parallel_loop3A_296 = arith.addf %parallel_loop3A_283, %parallel_loop3A_295 : vector<16xf32>
        %parallel_loop3A_297 = tpu.vector_load_idx %arg6[%parallel_loop3A_292] : memref<35937xf32, #tpu.memory_space<vmem>>[vector<16xi32>], vector<16xf32>,
        %parallel_loop3A_298 = arith.mulf %parallel_loop3A_293, %parallel_loop3A_297 : vector<16xf32>
        %parallel_loop3A_299 = arith.addf %parallel_loop3A_286, %parallel_loop3A_298 : vector<16xf32>
        %parallel_loop3A_300 = tpu.vector_load_idx %arg7[%parallel_loop3A_292] : memref<35937xf32, #tpu.memory_space<vmem>>[vector<16xi32>], vector<16xf32>,
        %parallel_loop3A_301 = arith.mulf %parallel_loop3A_293, %parallel_loop3A_300 : vector<16xf32>
        %parallel_loop3A_302 = arith.addf %parallel_loop3A_289, %parallel_loop3A_301 : vector<16xf32>
        %parallel_loop3A_303 = arith.constant 1122 : i32
        %parallel_loop3A_304 = vector.broadcast %parallel_loop3A_303 : i32 to vector<16xi32>
        %parallel_loop3A_305 = arith.addi %parallel_loop3A_217, %parallel_loop3A_304 : vector<16xi32>
        %parallel_loop3A_306 = arith.mulf %parallel_loop3A_227, %parallel_loop3A_230 : vector<16xf32>
        %parallel_loop3A_307 = tpu.vector_load_idx %arg5[%parallel_loop3A_305] : memref<35937xf32, #tpu.memory_space<vmem>>[vector<16xi32>], vector<16xf32>,
        %parallel_loop3A_308 = arith.mulf %parallel_loop3A_306, %parallel_loop3A_307 : vector<16xf32>
        %parallel_loop3A_309 = arith.addf %parallel_loop3A_296, %parallel_loop3A_308 : vector<16xf32>
        %parallel_loop3A_310 = tpu.vector_load_idx %arg6[%parallel_loop3A_305] : memref<35937xf32, #tpu.memory_space<vmem>>[vector<16xi32>], vector<16xf32>,
        %parallel_loop3A_311 = arith.mulf %parallel_loop3A_306, %parallel_loop3A_310 : vector<16xf32>
        %parallel_loop3A_312 = arith.addf %parallel_loop3A_299, %parallel_loop3A_311 : vector<16xf32>
        %parallel_loop3A_313 = tpu.vector_load_idx %arg7[%parallel_loop3A_305] : memref<35937xf32, #tpu.memory_space<vmem>>[vector<16xi32>], vector<16xf32>,
        %parallel_loop3A_314 = arith.mulf %parallel_loop3A_306, %parallel_loop3A_313 : vector<16xf32>
        %parallel_loop3A_315 = arith.addf %parallel_loop3A_302, %parallel_loop3A_314 : vector<16xf32>
        %parallel_loop3A_316 = arith.constant 1123 : i32
        %parallel_loop3A_317 = vector.broadcast %parallel_loop3A_316 : i32 to vector<16xi32>
        %parallel_loop3A_318 = arith.addi %parallel_loop3A_217, %parallel_loop3A_317 : vector<16xi32>
        %parallel_loop3A_319 = arith.mulf %parallel_loop3A_227, %parallel_loop3A_205 : vector<16xf32>
        %parallel_loop3A_320 = tpu.vector_load_idx %arg5[%parallel_loop3A_318] : memref<35937xf32, #tpu.memory_space<vmem>>[vector<16xi32>], vector<16xf32>,
        %parallel_loop3A_321 = arith.mulf %parallel_loop3A_319, %parallel_loop3A_320 : vector<16xf32>
        %parallel_loop3A_322 = arith.addf %parallel_loop3A_309, %parallel_loop3A_321 : vector<16xf32>
        %parallel_loop3A_323 = tpu.vector_load_idx %arg6[%parallel_loop3A_318] : memref<35937xf32, #tpu.memory_space<vmem>>[vector<16xi32>], vector<16xf32>,
        %parallel_loop3A_324 = arith.mulf %parallel_loop3A_319, %parallel_loop3A_323 : vector<16xf32>
        %parallel_loop3A_325 = arith.addf %parallel_loop3A_312, %parallel_loop3A_324 : vector<16xf32>
        %parallel_loop3A_326 = tpu.vector_load_idx %arg7[%parallel_loop3A_318] : memref<35937xf32, #tpu.memory_space<vmem>>[vector<16xi32>], vector<16xf32>,
        %parallel_loop3A_327 = arith.mulf %parallel_loop3A_319, %parallel_loop3A_326 : vector<16xf32>
        %parallel_loop3A_328 = arith.addf %parallel_loop3A_315, %parallel_loop3A_327 : vector<16xf32>
        %parallel_loop3A_329 = arith.constant 0 : i32
        %parallel_loop3A_330 = arith.index_cast %parallel_loop3A_329 : i32 to index
        %parallel_loop3A_331 = arith.index_cast %parallel_loop3A_165 : i32 to index
        %parallel_loop3A_332 = arith.index_cast %parallel_loop3A_167 : i32 to index
        %parallel_loop3A_333 = tpu.vector_load %arg10[%parallel_loop3A_330, %parallel_loop3A_331, %parallel_loop3A_332] {strides = array<i32>} : memref<3x8x128xf32, #tpu.memory_space<vmem>>, vector<16xf32>,
        tpu.vector_store %arg10[%parallel_loop3A_330, %parallel_loop3A_331, %parallel_loop3A_332], %parallel_loop3A_322 {strides = array<i32>} : memref<3x8x128xf32, #tpu.memory_space<vmem>>, vector<16xf32>,
        %parallel_loop3A_334 = arith.constant 1 : i32
        %parallel_loop3A_335 = arith.index_cast %parallel_loop3A_334 : i32 to index
        %parallel_loop3A_336 = arith.index_cast %parallel_loop3A_165 : i32 to index
        %parallel_loop3A_337 = arith.index_cast %parallel_loop3A_167 : i32 to index
        %parallel_loop3A_338 = tpu.vector_load %arg10[%parallel_loop3A_335, %parallel_loop3A_336, %parallel_loop3A_337] {strides = array<i32>} : memref<3x8x128xf32, #tpu.memory_space<vmem>>, vector<16xf32>,
        tpu.vector_store %arg10[%parallel_loop3A_335, %parallel_loop3A_336, %parallel_loop3A_337], %parallel_loop3A_325 {strides = array<i32>} : memref<3x8x128xf32, #tpu.memory_space<vmem>>, vector<16xf32>,
        %parallel_loop3A_339 = arith.constant 2 : i32
        %parallel_loop3A_340 = arith.index_cast %parallel_loop3A_339 : i32 to index
        %parallel_loop3A_341 = arith.index_cast %parallel_loop3A_165 : i32 to index
        %parallel_loop3A_342 = arith.index_cast %parallel_loop3A_167 : i32 to index
        %parallel_loop3A_343 = tpu.vector_load %arg10[%parallel_loop3A_340, %parallel_loop3A_341, %parallel_loop3A_342] {strides = array<i32>} : memref<3x8x128xf32, #tpu.memory_space<vmem>>, vector<16xf32>,
        tpu.vector_store %arg10[%parallel_loop3A_340, %parallel_loop3A_341, %parallel_loop3A_342], %parallel_loop3A_328 {strides = array<i32>} : memref<3x8x128xf32, #tpu.memory_space<vmem>>, vector<16xf32>,
      } {sc.loop_unroll_factor = 2 : i64, sc.parallel_access}
      %shift_right_arithmetic3A_97 = arith.constant 2 : i32
      %shift_right_arithmetic3A_98 = arith.shrsi %mul3A_77, %shift_right_arithmetic3A_97 : i32
      %add3A_99 = arith.addi %mul3A_0, %shift_right_arithmetic3A_98 : i32
      %and3A_100 = arith.constant 3 : i32
      %and3A_101 = arith.andi %mul3A_77, %and3A_100 : i32
      %mul3A_102 = arith.constant 8 : i32
      %mul3A_103 = arith.muli %add3A_99, %mul3A_102 : i32
      %mul3A_104 = arith.constant 128 : i32
      %mul3A_105 = arith.muli %and3A_101, %mul3A_104 : i32
      %dma_start3A_106 = arith.constant 0 : i32
      %dma_start3A_107 = tpu.memref_slice %arg4[%arg1, %dma_start3A_106, %mul3A_103, %mul3A_105] : memref<16x3x512x512xf32, #tpu.memory_space<hbm>> -> memref<1x3x8x128xf32, #tpu.memory_space<hbm>>
      %dma_start3A_108 = tpu.memref_squeeze %dma_start3A_107 : memref<1x3x8x128xf32, #tpu.memory_space<hbm>> -> memref<3x8x128xf32, #tpu.memory_space<hbm>>
      %dma_start3A_109 = arith.constant 0 : i32
      %dma_start3A_110 = tpu.memref_slice %arg4[%arg1, %dma_start3A_109, %mul3A_103, %mul3A_105] : memref<16x3x512x512xf32, #tpu.memory_space<hbm>> -> memref<1x3x8x128xf32, #tpu.memory_space<hbm>>
      %dma_start3A_111 = tpu.memref_squeeze %dma_start3A_110 : memref<1x3x8x128xf32, #tpu.memory_space<hbm>> -> memref<3x8x128xf32, #tpu.memory_space<hbm>>
      tpu.enqueue_dma source(%arg10 : memref<3x8x128xf32, #tpu.memory_space<vmem>>) target(%dma_start3A_111 : memref<3x8x128xf32, #tpu.memory_space<hbm>>) target_semaphore(%arg14 : memref<!tpu.dma_semaphore, #tpu.memory_space<semaphore_mem>>)
      %add3A_112 = arith.constant 2 : i32
      %add3A_113 = arith.addi %mul3A_77, %add3A_112 : i32
      %lt3A = arith.constant 128 : i32
      %lt3A_114 = arith.cmpi slt, %add3A_113, %lt3A : i32
      %convert_element_type3A_115 = arith.extui %lt3A_114 : i1 to i32
      %cond3A_116 = arith.constant 0 : i32
      %cond3A_117 = arith.cmpi ne, %convert_element_type3A_115, %cond3A_116 : i32
      scf.if %cond3A_117 {
        %add3A_163 = arith.constant 2 : i32
        %add3A_164 = arith.addi %mul3A_77, %add3A_163 : i32
        %shift_right_arithmetic3A_165 = arith.constant 2 : i32
        %shift_right_arithmetic3A_166 = arith.shrsi %add3A_164, %shift_right_arithmetic3A_165 : i32
        %add3A_167 = arith.addi %mul3A_0, %shift_right_arithmetic3A_166 : i32
        %and3A_168 = arith.constant 3 : i32
        %and3A_169 = arith.andi %add3A_164, %and3A_168 : i32
        %mul3A_170 = arith.constant 8 : i32
        %mul3A_171 = arith.muli %add3A_167, %mul3A_170 : i32
        %mul3A_172 = arith.constant 128 : i32
        %mul3A_173 = arith.muli %and3A_169, %mul3A_172 : i32
        %dma_start3A_174 = arith.constant 0 : i32
        %dma_start3A_175 = tpu.memref_slice %arg3[%arg1, %dma_start3A_174, %mul3A_171, %mul3A_173] : memref<16x3x512x512xf32, #tpu.memory_space<hbm>> -> memref<1x3x8x128xf32, #tpu.memory_space<hbm>>
        %dma_start3A_176 = tpu.memref_squeeze %dma_start3A_175 : memref<1x3x8x128xf32, #tpu.memory_space<hbm>> -> memref<3x8x128xf32, #tpu.memory_space<hbm>>
        %dma_start3A_177 = arith.constant 0 : i32
        %dma_start3A_178 = tpu.memref_slice %arg3[%arg1, %dma_start3A_177, %mul3A_171, %mul3A_173] : memref<16x3x512x512xf32, #tpu.memory_space<hbm>> -> memref<1x3x8x128xf32, #tpu.memory_space<hbm>>
        %dma_start3A_179 = tpu.memref_squeeze %dma_start3A_178 : memref<1x3x8x128xf32, #tpu.memory_space<hbm>> -> memref<3x8x128xf32, #tpu.memory_space<hbm>>
        tpu.enqueue_dma source(%dma_start3A_179 : memref<3x8x128xf32, #tpu.memory_space<hbm>>) target(%arg8 : memref<3x8x128xf32, #tpu.memory_space<vmem>>) target_semaphore(%arg12 : memref<!tpu.dma_semaphore, #tpu.memory_space<semaphore_mem>>)
      } else {
      }
      %shift_right_arithmetic3A_118 = arith.constant 2 : i32
      %shift_right_arithmetic3A_119 = arith.shrsi %add3A_79, %shift_right_arithmetic3A_118 : i32
      %add3A_120 = arith.addi %mul3A_0, %shift_right_arithmetic3A_119 : i32
      %and3A_121 = arith.constant 3 : i32
      %and3A_122 = arith.andi %add3A_79, %and3A_121 : i32
      %mul3A_123 = arith.constant 8 : i32
      %mul3A_124 = arith.muli %add3A_120, %mul3A_123 : i32
      %mul3A_125 = arith.constant 128 : i32
      %mul3A_126 = arith.muli %and3A_122, %mul3A_125 : i32
      %dma_wait3A_127 = arith.constant 0 : i32
      %dma_wait3A_128 = tpu.memref_slice %arg3[%arg1, %dma_wait3A_127, %mul3A_124, %mul3A_126] : memref<16x3x512x512xf32, #tpu.memory_space<hbm>> -> memref<1x3x8x128xf32, #tpu.memory_space<hbm>>
      %dma_wait3A_129 = tpu.memref_squeeze %dma_wait3A_128 : memref<1x3x8x128xf32, #tpu.memory_space<hbm>> -> memref<3x8x128xf32, #tpu.memory_space<hbm>>
      %dma_wait3A_130 = arith.constant 0 : i32
      %dma_wait3A_131 = tpu.memref_slice %arg3[%arg1, %dma_wait3A_130, %mul3A_124, %mul3A_126] : memref<16x3x512x512xf32, #tpu.memory_space<hbm>> -> memref<1x3x8x128xf32, #tpu.memory_space<hbm>>
      %dma_wait3A_132 = tpu.memref_squeeze %dma_wait3A_131 : memref<1x3x8x128xf32, #tpu.memory_space<hbm>> -> memref<3x8x128xf32, #tpu.memory_space<hbm>>
      tpu.wait_dma2 semaphore(%arg13 : memref<!tpu.dma_semaphore, #tpu.memory_space<semaphore_mem>>) src(%dma_wait3A_132 : memref<3x8x128xf32, #tpu.memory_space<hbm>>) dst(%arg9 : memref<3x8x128xf32, #tpu.memory_space<vmem>>)
      %gt3A_133 = arith.constant 0 : i32
      %gt3A_134 = arith.cmpi sgt, %scan3A_75, %gt3A_133 : i32
      %convert_element_type3A_135 = arith.extui %gt3A_134 : i1 to i32
      %cond3A_136 = arith.constant 0 : i32
      %cond3A_137 = arith.cmpi ne, %convert_element_type3A_135, %cond3A_136 : i32
      scf.if %cond3A_137 {
        %shift_right_arithmetic3A_163 = arith.constant 2 : i32
        %shift_right_arithmetic3A_164 = arith.shrsi %add3A_79, %shift_right_arithmetic3A_163 : i32
        %add3A_165 = arith.addi %mul3A_0, %shift_right_arithmetic3A_164 : i32
        %and3A_166 = arith.constant 3 : i32
        %and3A_167 = arith.andi %add3A_79, %and3A_166 : i32
        %mul3A_168 = arith.constant 8 : i32
        %mul3A_169 = arith.muli %add3A_165, %mul3A_168 : i32
        %mul3A_170 = arith.constant 128 : i32
        %mul3A_171 = arith.muli %and3A_167, %mul3A_170 : i32
        %dma_wait3A_172 = arith.constant 0 : i32
        %dma_wait3A_173 = tpu.memref_slice %arg4[%arg1, %dma_wait3A_172, %mul3A_169, %mul3A_171] : memref<16x3x512x512xf32, #tpu.memory_space<hbm>> -> memref<1x3x8x128xf32, #tpu.memory_space<hbm>>
        %dma_wait3A_174 = tpu.memref_squeeze %dma_wait3A_173 : memref<1x3x8x128xf32, #tpu.memory_space<hbm>> -> memref<3x8x128xf32, #tpu.memory_space<hbm>>
        %dma_wait3A_175 = arith.constant 0 : i32
        %dma_wait3A_176 = tpu.memref_slice %arg4[%arg1, %dma_wait3A_175, %mul3A_169, %mul3A_171] : memref<16x3x512x512xf32, #tpu.memory_space<hbm>> -> memref<1x3x8x128xf32, #tpu.memory_space<hbm>>
        %dma_wait3A_177 = tpu.memref_squeeze %dma_wait3A_176 : memref<1x3x8x128xf32, #tpu.memory_space<hbm>> -> memref<3x8x128xf32, #tpu.memory_space<hbm>>
        tpu.wait_dma2 semaphore(%arg15 : memref<!tpu.dma_semaphore, #tpu.memory_space<semaphore_mem>>) src(%arg11 : memref<3x8x128xf32, #tpu.memory_space<vmem>>) dst(%dma_wait3A_177 : memref<3x8x128xf32, #tpu.memory_space<hbm>>)
      } else {
      }
      %parallel_loop3A_138 = arith.constant 0 : i32
      %parallel_loop3A_139 = arith.constant 1024 : i32
      %parallel_loop3A_140 = arith.constant 16 : i32
      scf.for %parallel_loop3A_163 = %parallel_loop3A_138 to %parallel_loop3A_139 step %parallel_loop3A_140  : i32 {
        %parallel_loop3A_164 = arith.constant 7 : i32
        %parallel_loop3A_165 = arith.shrsi %parallel_loop3A_163, %parallel_loop3A_164 : i32
        %parallel_loop3A_166 = arith.constant 127 : i32
        %parallel_loop3A_167 = arith.andi %parallel_loop3A_163, %parallel_loop3A_166 : i32
        %parallel_loop3A_168 = arith.constant 0 : i32
        %parallel_loop3A_169 = arith.index_cast %parallel_loop3A_168 : i32 to index
        %parallel_loop3A_170 = arith.index_cast %parallel_loop3A_165 : i32 to index
        %parallel_loop3A_171 = arith.index_cast %parallel_loop3A_167 : i32 to index
        %parallel_loop3A_172 = tpu.vector_load %arg9[%parallel_loop3A_169, %parallel_loop3A_170, %parallel_loop3A_171] {strides = array<i32>} : memref<3x8x128xf32, #tpu.memory_space<vmem>>, vector<16xf32>,
        %parallel_loop3A_173 = arith.constant 1 : i32
        %parallel_loop3A_174 = arith.index_cast %parallel_loop3A_173 : i32 to index
        %parallel_loop3A_175 = arith.index_cast %parallel_loop3A_165 : i32 to index
        %parallel_loop3A_176 = arith.index_cast %parallel_loop3A_167 : i32 to index
        %parallel_loop3A_177 = tpu.vector_load %arg9[%parallel_loop3A_174, %parallel_loop3A_175, %parallel_loop3A_176] {strides = array<i32>} : memref<3x8x128xf32, #tpu.memory_space<vmem>>, vector<16xf32>,
        %parallel_loop3A_178 = arith.constant 2 : i32
        %parallel_loop3A_179 = arith.index_cast %parallel_loop3A_178 : i32 to index
        %parallel_loop3A_180 = arith.index_cast %parallel_loop3A_165 : i32 to index
        %parallel_loop3A_181 = arith.index_cast %parallel_loop3A_167 : i32 to index
        %parallel_loop3A_182 = tpu.vector_load %arg9[%parallel_loop3A_179, %parallel_loop3A_180, %parallel_loop3A_181] {strides = array<i32>} : memref<3x8x128xf32, #tpu.memory_space<vmem>>, vector<16xf32>,
        %parallel_loop3A_183 = arith.constant 3.200000e+01 : f32
        %parallel_loop3A_184 = vector.broadcast %parallel_loop3A_183 : f32 to vector<16xf32>
        %parallel_loop3A_185 = arith.mulf %parallel_loop3A_172, %parallel_loop3A_184 : vector<16xf32>
        %parallel_loop3A_186 = arith.constant 3.200000e+01 : f32
        %parallel_loop3A_187 = vector.broadcast %parallel_loop3A_186 : f32 to vector<16xf32>
        %parallel_loop3A_188 = arith.mulf %parallel_loop3A_177, %parallel_loop3A_187 : vector<16xf32>
        %parallel_loop3A_189 = arith.constant 3.200000e+01 : f32
        %parallel_loop3A_190 = vector.broadcast %parallel_loop3A_189 : f32 to vector<16xf32>
        %parallel_loop3A_191 = arith.mulf %parallel_loop3A_182, %parallel_loop3A_190 : vector<16xf32>
        %parallel_loop3A_192 = arith.constant 3.100000e+01 : f32
        %parallel_loop3A_193 = vector.broadcast %parallel_loop3A_192 : f32 to vector<16xf32>
        %parallel_loop3A_194 = arith.minimumf %parallel_loop3A_185, %parallel_loop3A_193 : vector<16xf32>
        %parallel_loop3A_195 = arith.fptosi %parallel_loop3A_194 : vector<16xf32> to vector<16xi32>
        %parallel_loop3A_196 = arith.constant 3.100000e+01 : f32
        %parallel_loop3A_197 = vector.broadcast %parallel_loop3A_196 : f32 to vector<16xf32>
        %parallel_loop3A_198 = arith.minimumf %parallel_loop3A_188, %parallel_loop3A_197 : vector<16xf32>
        %parallel_loop3A_199 = arith.fptosi %parallel_loop3A_198 : vector<16xf32> to vector<16xi32>
        %parallel_loop3A_200 = arith.constant 3.100000e+01 : f32
        %parallel_loop3A_201 = vector.broadcast %parallel_loop3A_200 : f32 to vector<16xf32>
        %parallel_loop3A_202 = arith.minimumf %parallel_loop3A_191, %parallel_loop3A_201 : vector<16xf32>
        %parallel_loop3A_203 = arith.fptosi %parallel_loop3A_202 : vector<16xf32> to vector<16xi32>
        %parallel_loop3A_204 = arith.sitofp %parallel_loop3A_195 : vector<16xi32> to vector<16xf32>
        %parallel_loop3A_205 = arith.subf %parallel_loop3A_185, %parallel_loop3A_204 : vector<16xf32>
        %parallel_loop3A_206 = arith.sitofp %parallel_loop3A_199 : vector<16xi32> to vector<16xf32>
        %parallel_loop3A_207 = arith.subf %parallel_loop3A_188, %parallel_loop3A_206 : vector<16xf32>
        %parallel_loop3A_208 = arith.sitofp %parallel_loop3A_203 : vector<16xi32> to vector<16xf32>
        %parallel_loop3A_209 = arith.subf %parallel_loop3A_191, %parallel_loop3A_208 : vector<16xf32>
        %parallel_loop3A_210 = arith.constant 1089 : i32
        %parallel_loop3A_211 = vector.broadcast %parallel_loop3A_210 : i32 to vector<16xi32>
        %parallel_loop3A_212 = arith.muli %parallel_loop3A_203, %parallel_loop3A_211 : vector<16xi32>
        %parallel_loop3A_213 = arith.constant 33 : i32
        %parallel_loop3A_214 = vector.broadcast %parallel_loop3A_213 : i32 to vector<16xi32>
        %parallel_loop3A_215 = arith.muli %parallel_loop3A_199, %parallel_loop3A_214 : vector<16xi32>
        %parallel_loop3A_216 = arith.addi %parallel_loop3A_212, %parallel_loop3A_215 : vector<16xi32>
        %parallel_loop3A_217 = arith.addi %parallel_loop3A_216, %parallel_loop3A_195 : vector<16xi32>
        %parallel_loop3A_218 = arith.constant 1.000000e+00 : f32
        %parallel_loop3A_219 = vector.broadcast %parallel_loop3A_218 : f32 to vector<16xf32>
        %parallel_loop3A_220 = arith.subf %parallel_loop3A_219, %parallel_loop3A_207 : vector<16xf32>
        %parallel_loop3A_221 = arith.constant 1.000000e+00 : f32
        %parallel_loop3A_222 = vector.broadcast %parallel_loop3A_221 : f32 to vector<16xf32>
        %parallel_loop3A_223 = arith.subf %parallel_loop3A_222, %parallel_loop3A_209 : vector<16xf32>
        %parallel_loop3A_224 = arith.mulf %parallel_loop3A_223, %parallel_loop3A_220 : vector<16xf32>
        %parallel_loop3A_225 = arith.mulf %parallel_loop3A_223, %parallel_loop3A_207 : vector<16xf32>
        %parallel_loop3A_226 = arith.mulf %parallel_loop3A_209, %parallel_loop3A_220 : vector<16xf32>
        %parallel_loop3A_227 = arith.mulf %parallel_loop3A_209, %parallel_loop3A_207 : vector<16xf32>
        %parallel_loop3A_228 = arith.constant 1.000000e+00 : f32
        %parallel_loop3A_229 = vector.broadcast %parallel_loop3A_228 : f32 to vector<16xf32>
        %parallel_loop3A_230 = arith.subf %parallel_loop3A_229, %parallel_loop3A_205 : vector<16xf32>
        %parallel_loop3A_231 = arith.mulf %parallel_loop3A_224, %parallel_loop3A_230 : vector<16xf32>
        %parallel_loop3A_232 = tpu.vector_load_idx %arg5[%parallel_loop3A_217] : memref<35937xf32, #tpu.memory_space<vmem>>[vector<16xi32>], vector<16xf32>,
        %parallel_loop3A_233 = arith.mulf %parallel_loop3A_231, %parallel_loop3A_232 : vector<16xf32>
        %parallel_loop3A_234 = tpu.vector_load_idx %arg6[%parallel_loop3A_217] : memref<35937xf32, #tpu.memory_space<vmem>>[vector<16xi32>], vector<16xf32>,
        %parallel_loop3A_235 = arith.mulf %parallel_loop3A_231, %parallel_loop3A_234 : vector<16xf32>
        %parallel_loop3A_236 = tpu.vector_load_idx %arg7[%parallel_loop3A_217] : memref<35937xf32, #tpu.memory_space<vmem>>[vector<16xi32>], vector<16xf32>,
        %parallel_loop3A_237 = arith.mulf %parallel_loop3A_231, %parallel_loop3A_236 : vector<16xf32>
        %parallel_loop3A_238 = arith.constant 1 : i32
        %parallel_loop3A_239 = vector.broadcast %parallel_loop3A_238 : i32 to vector<16xi32>
        %parallel_loop3A_240 = arith.addi %parallel_loop3A_217, %parallel_loop3A_239 : vector<16xi32>
        %parallel_loop3A_241 = arith.mulf %parallel_loop3A_224, %parallel_loop3A_205 : vector<16xf32>
        %parallel_loop3A_242 = tpu.vector_load_idx %arg5[%parallel_loop3A_240] : memref<35937xf32, #tpu.memory_space<vmem>>[vector<16xi32>], vector<16xf32>,
        %parallel_loop3A_243 = arith.mulf %parallel_loop3A_241, %parallel_loop3A_242 : vector<16xf32>
        %parallel_loop3A_244 = arith.addf %parallel_loop3A_233, %parallel_loop3A_243 : vector<16xf32>
        %parallel_loop3A_245 = tpu.vector_load_idx %arg6[%parallel_loop3A_240] : memref<35937xf32, #tpu.memory_space<vmem>>[vector<16xi32>], vector<16xf32>,
        %parallel_loop3A_246 = arith.mulf %parallel_loop3A_241, %parallel_loop3A_245 : vector<16xf32>
        %parallel_loop3A_247 = arith.addf %parallel_loop3A_235, %parallel_loop3A_246 : vector<16xf32>
        %parallel_loop3A_248 = tpu.vector_load_idx %arg7[%parallel_loop3A_240] : memref<35937xf32, #tpu.memory_space<vmem>>[vector<16xi32>], vector<16xf32>,
        %parallel_loop3A_249 = arith.mulf %parallel_loop3A_241, %parallel_loop3A_248 : vector<16xf32>
        %parallel_loop3A_250 = arith.addf %parallel_loop3A_237, %parallel_loop3A_249 : vector<16xf32>
        %parallel_loop3A_251 = arith.constant 33 : i32
        %parallel_loop3A_252 = vector.broadcast %parallel_loop3A_251 : i32 to vector<16xi32>
        %parallel_loop3A_253 = arith.addi %parallel_loop3A_217, %parallel_loop3A_252 : vector<16xi32>
        %parallel_loop3A_254 = arith.mulf %parallel_loop3A_225, %parallel_loop3A_230 : vector<16xf32>
        %parallel_loop3A_255 = tpu.vector_load_idx %arg5[%parallel_loop3A_253] : memref<35937xf32, #tpu.memory_space<vmem>>[vector<16xi32>], vector<16xf32>,
        %parallel_loop3A_256 = arith.mulf %parallel_loop3A_254, %parallel_loop3A_255 : vector<16xf32>
        %parallel_loop3A_257 = arith.addf %parallel_loop3A_244, %parallel_loop3A_256 : vector<16xf32>
        %parallel_loop3A_258 = tpu.vector_load_idx %arg6[%parallel_loop3A_253] : memref<35937xf32, #tpu.memory_space<vmem>>[vector<16xi32>], vector<16xf32>,
        %parallel_loop3A_259 = arith.mulf %parallel_loop3A_254, %parallel_loop3A_258 : vector<16xf32>
        %parallel_loop3A_260 = arith.addf %parallel_loop3A_247, %parallel_loop3A_259 : vector<16xf32>
        %parallel_loop3A_261 = tpu.vector_load_idx %arg7[%parallel_loop3A_253] : memref<35937xf32, #tpu.memory_space<vmem>>[vector<16xi32>], vector<16xf32>,
        %parallel_loop3A_262 = arith.mulf %parallel_loop3A_254, %parallel_loop3A_261 : vector<16xf32>
        %parallel_loop3A_263 = arith.addf %parallel_loop3A_250, %parallel_loop3A_262 : vector<16xf32>
        %parallel_loop3A_264 = arith.constant 34 : i32
        %parallel_loop3A_265 = vector.broadcast %parallel_loop3A_264 : i32 to vector<16xi32>
        %parallel_loop3A_266 = arith.addi %parallel_loop3A_217, %parallel_loop3A_265 : vector<16xi32>
        %parallel_loop3A_267 = arith.mulf %parallel_loop3A_225, %parallel_loop3A_205 : vector<16xf32>
        %parallel_loop3A_268 = tpu.vector_load_idx %arg5[%parallel_loop3A_266] : memref<35937xf32, #tpu.memory_space<vmem>>[vector<16xi32>], vector<16xf32>,
        %parallel_loop3A_269 = arith.mulf %parallel_loop3A_267, %parallel_loop3A_268 : vector<16xf32>
        %parallel_loop3A_270 = arith.addf %parallel_loop3A_257, %parallel_loop3A_269 : vector<16xf32>
        %parallel_loop3A_271 = tpu.vector_load_idx %arg6[%parallel_loop3A_266] : memref<35937xf32, #tpu.memory_space<vmem>>[vector<16xi32>], vector<16xf32>,
        %parallel_loop3A_272 = arith.mulf %parallel_loop3A_267, %parallel_loop3A_271 : vector<16xf32>
        %parallel_loop3A_273 = arith.addf %parallel_loop3A_260, %parallel_loop3A_272 : vector<16xf32>
        %parallel_loop3A_274 = tpu.vector_load_idx %arg7[%parallel_loop3A_266] : memref<35937xf32, #tpu.memory_space<vmem>>[vector<16xi32>], vector<16xf32>,
        %parallel_loop3A_275 = arith.mulf %parallel_loop3A_267, %parallel_loop3A_274 : vector<16xf32>
        %parallel_loop3A_276 = arith.addf %parallel_loop3A_263, %parallel_loop3A_275 : vector<16xf32>
        %parallel_loop3A_277 = arith.constant 1089 : i32
        %parallel_loop3A_278 = vector.broadcast %parallel_loop3A_277 : i32 to vector<16xi32>
        %parallel_loop3A_279 = arith.addi %parallel_loop3A_217, %parallel_loop3A_278 : vector<16xi32>
        %parallel_loop3A_280 = arith.mulf %parallel_loop3A_226, %parallel_loop3A_230 : vector<16xf32>
        %parallel_loop3A_281 = tpu.vector_load_idx %arg5[%parallel_loop3A_279] : memref<35937xf32, #tpu.memory_space<vmem>>[vector<16xi32>], vector<16xf32>,
        %parallel_loop3A_282 = arith.mulf %parallel_loop3A_280, %parallel_loop3A_281 : vector<16xf32>
        %parallel_loop3A_283 = arith.addf %parallel_loop3A_270, %parallel_loop3A_282 : vector<16xf32>
        %parallel_loop3A_284 = tpu.vector_load_idx %arg6[%parallel_loop3A_279] : memref<35937xf32, #tpu.memory_space<vmem>>[vector<16xi32>], vector<16xf32>,
        %parallel_loop3A_285 = arith.mulf %parallel_loop3A_280, %parallel_loop3A_284 : vector<16xf32>
        %parallel_loop3A_286 = arith.addf %parallel_loop3A_273, %parallel_loop3A_285 : vector<16xf32>
        %parallel_loop3A_287 = tpu.vector_load_idx %arg7[%parallel_loop3A_279] : memref<35937xf32, #tpu.memory_space<vmem>>[vector<16xi32>], vector<16xf32>,
        %parallel_loop3A_288 = arith.mulf %parallel_loop3A_280, %parallel_loop3A_287 : vector<16xf32>
        %parallel_loop3A_289 = arith.addf %parallel_loop3A_276, %parallel_loop3A_288 : vector<16xf32>
        %parallel_loop3A_290 = arith.constant 1090 : i32
        %parallel_loop3A_291 = vector.broadcast %parallel_loop3A_290 : i32 to vector<16xi32>
        %parallel_loop3A_292 = arith.addi %parallel_loop3A_217, %parallel_loop3A_291 : vector<16xi32>
        %parallel_loop3A_293 = arith.mulf %parallel_loop3A_226, %parallel_loop3A_205 : vector<16xf32>
        %parallel_loop3A_294 = tpu.vector_load_idx %arg5[%parallel_loop3A_292] : memref<35937xf32, #tpu.memory_space<vmem>>[vector<16xi32>], vector<16xf32>,
        %parallel_loop3A_295 = arith.mulf %parallel_loop3A_293, %parallel_loop3A_294 : vector<16xf32>
        %parallel_loop3A_296 = arith.addf %parallel_loop3A_283, %parallel_loop3A_295 : vector<16xf32>
        %parallel_loop3A_297 = tpu.vector_load_idx %arg6[%parallel_loop3A_292] : memref<35937xf32, #tpu.memory_space<vmem>>[vector<16xi32>], vector<16xf32>,
        %parallel_loop3A_298 = arith.mulf %parallel_loop3A_293, %parallel_loop3A_297 : vector<16xf32>
        %parallel_loop3A_299 = arith.addf %parallel_loop3A_286, %parallel_loop3A_298 : vector<16xf32>
        %parallel_loop3A_300 = tpu.vector_load_idx %arg7[%parallel_loop3A_292] : memref<35937xf32, #tpu.memory_space<vmem>>[vector<16xi32>], vector<16xf32>,
        %parallel_loop3A_301 = arith.mulf %parallel_loop3A_293, %parallel_loop3A_300 : vector<16xf32>
        %parallel_loop3A_302 = arith.addf %parallel_loop3A_289, %parallel_loop3A_301 : vector<16xf32>
        %parallel_loop3A_303 = arith.constant 1122 : i32
        %parallel_loop3A_304 = vector.broadcast %parallel_loop3A_303 : i32 to vector<16xi32>
        %parallel_loop3A_305 = arith.addi %parallel_loop3A_217, %parallel_loop3A_304 : vector<16xi32>
        %parallel_loop3A_306 = arith.mulf %parallel_loop3A_227, %parallel_loop3A_230 : vector<16xf32>
        %parallel_loop3A_307 = tpu.vector_load_idx %arg5[%parallel_loop3A_305] : memref<35937xf32, #tpu.memory_space<vmem>>[vector<16xi32>], vector<16xf32>,
        %parallel_loop3A_308 = arith.mulf %parallel_loop3A_306, %parallel_loop3A_307 : vector<16xf32>
        %parallel_loop3A_309 = arith.addf %parallel_loop3A_296, %parallel_loop3A_308 : vector<16xf32>
        %parallel_loop3A_310 = tpu.vector_load_idx %arg6[%parallel_loop3A_305] : memref<35937xf32, #tpu.memory_space<vmem>>[vector<16xi32>], vector<16xf32>,
        %parallel_loop3A_311 = arith.mulf %parallel_loop3A_306, %parallel_loop3A_310 : vector<16xf32>
        %parallel_loop3A_312 = arith.addf %parallel_loop3A_299, %parallel_loop3A_311 : vector<16xf32>
        %parallel_loop3A_313 = tpu.vector_load_idx %arg7[%parallel_loop3A_305] : memref<35937xf32, #tpu.memory_space<vmem>>[vector<16xi32>], vector<16xf32>,
        %parallel_loop3A_314 = arith.mulf %parallel_loop3A_306, %parallel_loop3A_313 : vector<16xf32>
        %parallel_loop3A_315 = arith.addf %parallel_loop3A_302, %parallel_loop3A_314 : vector<16xf32>
        %parallel_loop3A_316 = arith.constant 1123 : i32
        %parallel_loop3A_317 = vector.broadcast %parallel_loop3A_316 : i32 to vector<16xi32>
        %parallel_loop3A_318 = arith.addi %parallel_loop3A_217, %parallel_loop3A_317 : vector<16xi32>
        %parallel_loop3A_319 = arith.mulf %parallel_loop3A_227, %parallel_loop3A_205 : vector<16xf32>
        %parallel_loop3A_320 = tpu.vector_load_idx %arg5[%parallel_loop3A_318] : memref<35937xf32, #tpu.memory_space<vmem>>[vector<16xi32>], vector<16xf32>,
        %parallel_loop3A_321 = arith.mulf %parallel_loop3A_319, %parallel_loop3A_320 : vector<16xf32>
        %parallel_loop3A_322 = arith.addf %parallel_loop3A_309, %parallel_loop3A_321 : vector<16xf32>
        %parallel_loop3A_323 = tpu.vector_load_idx %arg6[%parallel_loop3A_318] : memref<35937xf32, #tpu.memory_space<vmem>>[vector<16xi32>], vector<16xf32>,
        %parallel_loop3A_324 = arith.mulf %parallel_loop3A_319, %parallel_loop3A_323 : vector<16xf32>
        %parallel_loop3A_325 = arith.addf %parallel_loop3A_312, %parallel_loop3A_324 : vector<16xf32>
        %parallel_loop3A_326 = tpu.vector_load_idx %arg7[%parallel_loop3A_318] : memref<35937xf32, #tpu.memory_space<vmem>>[vector<16xi32>], vector<16xf32>,
        %parallel_loop3A_327 = arith.mulf %parallel_loop3A_319, %parallel_loop3A_326 : vector<16xf32>
        %parallel_loop3A_328 = arith.addf %parallel_loop3A_315, %parallel_loop3A_327 : vector<16xf32>
        %parallel_loop3A_329 = arith.constant 0 : i32
        %parallel_loop3A_330 = arith.index_cast %parallel_loop3A_329 : i32 to index
        %parallel_loop3A_331 = arith.index_cast %parallel_loop3A_165 : i32 to index
        %parallel_loop3A_332 = arith.index_cast %parallel_loop3A_167 : i32 to index
        %parallel_loop3A_333 = tpu.vector_load %arg11[%parallel_loop3A_330, %parallel_loop3A_331, %parallel_loop3A_332] {strides = array<i32>} : memref<3x8x128xf32, #tpu.memory_space<vmem>>, vector<16xf32>,
        tpu.vector_store %arg11[%parallel_loop3A_330, %parallel_loop3A_331, %parallel_loop3A_332], %parallel_loop3A_322 {strides = array<i32>} : memref<3x8x128xf32, #tpu.memory_space<vmem>>, vector<16xf32>,
        %parallel_loop3A_334 = arith.constant 1 : i32
        %parallel_loop3A_335 = arith.index_cast %parallel_loop3A_334 : i32 to index
        %parallel_loop3A_336 = arith.index_cast %parallel_loop3A_165 : i32 to index
        %parallel_loop3A_337 = arith.index_cast %parallel_loop3A_167 : i32 to index
        %parallel_loop3A_338 = tpu.vector_load %arg11[%parallel_loop3A_335, %parallel_loop3A_336, %parallel_loop3A_337] {strides = array<i32>} : memref<3x8x128xf32, #tpu.memory_space<vmem>>, vector<16xf32>,
        tpu.vector_store %arg11[%parallel_loop3A_335, %parallel_loop3A_336, %parallel_loop3A_337], %parallel_loop3A_325 {strides = array<i32>} : memref<3x8x128xf32, #tpu.memory_space<vmem>>, vector<16xf32>,
        %parallel_loop3A_339 = arith.constant 2 : i32
        %parallel_loop3A_340 = arith.index_cast %parallel_loop3A_339 : i32 to index
        %parallel_loop3A_341 = arith.index_cast %parallel_loop3A_165 : i32 to index
        %parallel_loop3A_342 = arith.index_cast %parallel_loop3A_167 : i32 to index
        %parallel_loop3A_343 = tpu.vector_load %arg11[%parallel_loop3A_340, %parallel_loop3A_341, %parallel_loop3A_342] {strides = array<i32>} : memref<3x8x128xf32, #tpu.memory_space<vmem>>, vector<16xf32>,
        tpu.vector_store %arg11[%parallel_loop3A_340, %parallel_loop3A_341, %parallel_loop3A_342], %parallel_loop3A_328 {strides = array<i32>} : memref<3x8x128xf32, #tpu.memory_space<vmem>>, vector<16xf32>,
      } {sc.loop_unroll_factor = 2 : i64, sc.parallel_access}
      %shift_right_arithmetic3A_141 = arith.constant 2 : i32
      %shift_right_arithmetic3A_142 = arith.shrsi %add3A_79, %shift_right_arithmetic3A_141 : i32
      %add3A_143 = arith.addi %mul3A_0, %shift_right_arithmetic3A_142 : i32
      %and3A_144 = arith.constant 3 : i32
      %and3A_145 = arith.andi %add3A_79, %and3A_144 : i32
      %mul3A_146 = arith.constant 8 : i32
      %mul3A_147 = arith.muli %add3A_143, %mul3A_146 : i32
      %mul3A_148 = arith.constant 128 : i32
      %mul3A_149 = arith.muli %and3A_145, %mul3A_148 : i32
      %dma_start3A_150 = arith.constant 0 : i32
      %dma_start3A_151 = tpu.memref_slice %arg4[%arg1, %dma_start3A_150, %mul3A_147, %mul3A_149] : memref<16x3x512x512xf32, #tpu.memory_space<hbm>> -> memref<1x3x8x128xf32, #tpu.memory_space<hbm>>
      %dma_start3A_152 = tpu.memref_squeeze %dma_start3A_151 : memref<1x3x8x128xf32, #tpu.memory_space<hbm>> -> memref<3x8x128xf32, #tpu.memory_space<hbm>>
      %dma_start3A_153 = arith.constant 0 : i32
      %dma_start3A_154 = tpu.memref_slice %arg4[%arg1, %dma_start3A_153, %mul3A_147, %mul3A_149] : memref<16x3x512x512xf32, #tpu.memory_space<hbm>> -> memref<1x3x8x128xf32, #tpu.memory_space<hbm>>
      %dma_start3A_155 = tpu.memref_squeeze %dma_start3A_154 : memref<1x3x8x128xf32, #tpu.memory_space<hbm>> -> memref<3x8x128xf32, #tpu.memory_space<hbm>>
      tpu.enqueue_dma source(%arg11 : memref<3x8x128xf32, #tpu.memory_space<vmem>>) target(%dma_start3A_155 : memref<3x8x128xf32, #tpu.memory_space<hbm>>) target_semaphore(%arg15 : memref<!tpu.dma_semaphore, #tpu.memory_space<semaphore_mem>>)
      %add3A_156 = arith.constant 2 : i32
      %add3A_157 = arith.addi %add3A_79, %add3A_156 : i32
      %lt3A_158 = arith.constant 128 : i32
      %lt3A_159 = arith.cmpi slt, %add3A_157, %lt3A_158 : i32
      %convert_element_type3A_160 = arith.extui %lt3A_159 : i1 to i32
      %cond3A_161 = arith.constant 0 : i32
      %cond3A_162 = arith.cmpi ne, %convert_element_type3A_160, %cond3A_161 : i32
      scf.if %cond3A_162 {
        %add3A_163 = arith.constant 2 : i32
        %add3A_164 = arith.addi %add3A_79, %add3A_163 : i32
        %shift_right_arithmetic3A_165 = arith.constant 2 : i32
        %shift_right_arithmetic3A_166 = arith.shrsi %add3A_164, %shift_right_arithmetic3A_165 : i32
        %add3A_167 = arith.addi %mul3A_0, %shift_right_arithmetic3A_166 : i32
        %and3A_168 = arith.constant 3 : i32
        %and3A_169 = arith.andi %add3A_164, %and3A_168 : i32
        %mul3A_170 = arith.constant 8 : i32
        %mul3A_171 = arith.muli %add3A_167, %mul3A_170 : i32
        %mul3A_172 = arith.constant 128 : i32
        %mul3A_173 = arith.muli %and3A_169, %mul3A_172 : i32
        %dma_start3A_174 = arith.constant 0 : i32
        %dma_start3A_175 = tpu.memref_slice %arg3[%arg1, %dma_start3A_174, %mul3A_171, %mul3A_173] : memref<16x3x512x512xf32, #tpu.memory_space<hbm>> -> memref<1x3x8x128xf32, #tpu.memory_space<hbm>>
        %dma_start3A_176 = tpu.memref_squeeze %dma_start3A_175 : memref<1x3x8x128xf32, #tpu.memory_space<hbm>> -> memref<3x8x128xf32, #tpu.memory_space<hbm>>
        %dma_start3A_177 = arith.constant 0 : i32
        %dma_start3A_178 = tpu.memref_slice %arg3[%arg1, %dma_start3A_177, %mul3A_171, %mul3A_173] : memref<16x3x512x512xf32, #tpu.memory_space<hbm>> -> memref<1x3x8x128xf32, #tpu.memory_space<hbm>>
        %dma_start3A_179 = tpu.memref_squeeze %dma_start3A_178 : memref<1x3x8x128xf32, #tpu.memory_space<hbm>> -> memref<3x8x128xf32, #tpu.memory_space<hbm>>
        tpu.enqueue_dma source(%dma_start3A_179 : memref<3x8x128xf32, #tpu.memory_space<hbm>>) target(%arg9 : memref<3x8x128xf32, #tpu.memory_space<vmem>>) target_semaphore(%arg13 : memref<!tpu.dma_semaphore, #tpu.memory_space<semaphore_mem>>)
      } else {
      }
    }
    %scan3A_50 = arith.constant 64 : i32
    %add3A_51 = arith.constant 31 : i32
    %add3A_52 = arith.addi %mul3A_0, %add3A_51 : i32
    %mul3A_53 = arith.constant 8 : i32
    %mul3A_54 = arith.muli %add3A_52, %mul3A_53 : i32
    %dma_wait3A_55 = arith.constant 0 : i32
    %dma_wait3A_56 = arith.constant 256 : i32
    %dma_wait3A_57 = tpu.memref_slice %arg4[%arg1, %dma_wait3A_55, %mul3A_54, %dma_wait3A_56] : memref<16x3x512x512xf32, #tpu.memory_space<hbm>> -> memref<1x3x8x128xf32, #tpu.memory_space<hbm>>
    %dma_wait3A_58 = tpu.memref_squeeze %dma_wait3A_57 : memref<1x3x8x128xf32, #tpu.memory_space<hbm>> -> memref<3x8x128xf32, #tpu.memory_space<hbm>>
    %dma_wait3A_59 = arith.constant 0 : i32
    %dma_wait3A_60 = arith.constant 256 : i32
    %dma_wait3A_61 = tpu.memref_slice %arg4[%arg1, %dma_wait3A_59, %mul3A_54, %dma_wait3A_60] : memref<16x3x512x512xf32, #tpu.memory_space<hbm>> -> memref<1x3x8x128xf32, #tpu.memory_space<hbm>>
    %dma_wait3A_62 = tpu.memref_squeeze %dma_wait3A_61 : memref<1x3x8x128xf32, #tpu.memory_space<hbm>> -> memref<3x8x128xf32, #tpu.memory_space<hbm>>
    tpu.wait_dma2 semaphore(%arg14 : memref<!tpu.dma_semaphore, #tpu.memory_space<semaphore_mem>>) src(%arg10 : memref<3x8x128xf32, #tpu.memory_space<vmem>>) dst(%dma_wait3A_62 : memref<3x8x128xf32, #tpu.memory_space<hbm>>)
    %add3A_63 = arith.constant 31 : i32
    %add3A_64 = arith.addi %mul3A_0, %add3A_63 : i32
    %mul3A_65 = arith.constant 8 : i32
    %mul3A_66 = arith.muli %add3A_64, %mul3A_65 : i32
    %dma_wait3A_67 = arith.constant 0 : i32
    %dma_wait3A_68 = arith.constant 384 : i32
    %dma_wait3A_69 = tpu.memref_slice %arg4[%arg1, %dma_wait3A_67, %mul3A_66, %dma_wait3A_68] : memref<16x3x512x512xf32, #tpu.memory_space<hbm>> -> memref<1x3x8x128xf32, #tpu.memory_space<hbm>>
    %dma_wait3A_70 = tpu.memref_squeeze %dma_wait3A_69 : memref<1x3x8x128xf32, #tpu.memory_space<hbm>> -> memref<3x8x128xf32, #tpu.memory_space<hbm>>
    %dma_wait3A_71 = arith.constant 0 : i32
    %dma_wait3A_72 = arith.constant 384 : i32
    %dma_wait3A_73 = tpu.memref_slice %arg4[%arg1, %dma_wait3A_71, %mul3A_66, %dma_wait3A_72] : memref<16x3x512x512xf32, #tpu.memory_space<hbm>> -> memref<1x3x8x128xf32, #tpu.memory_space<hbm>>
    %dma_wait3A_74 = tpu.memref_squeeze %dma_wait3A_73 : memref<1x3x8x128xf32, #tpu.memory_space<hbm>> -> memref<3x8x128xf32, #tpu.memory_space<hbm>>
    tpu.wait_dma2 semaphore(%arg15 : memref<!tpu.dma_semaphore, #tpu.memory_space<semaphore_mem>>) src(%arg11 : memref<3x8x128xf32, #tpu.memory_space<vmem>>) dst(%dma_wait3A_74 : memref<3x8x128xf32, #tpu.memory_space<hbm>>)
    return
  }
}

</mosaic_0001>

<sc_bundles>
// kernel: kernel.3.cloned.1.call-start
scs
__scs_entry_jumppad:
0x0: {  	(pc) =	sbr.rel $0x88, $3  }
0x1: {  	(tag) =	ssettag $0x0;
	lr =	simm.s32 $0x1  }
0x2: {  	[smem:$0x3F9F] =	sst lr;
	_ =	strace $0xD0000000  }
0x3: {  	_ = 	snop  }
0x4: {  	_ = 	snop  }
0x5: {  	_ = 	snop  }
0x6: {  	_ = 	snop  }
0x7: {  	_ = 	snop  }
__scs_overlays_trampoline_lowered:
0x8: {  	[smem:$0x3FAE] =	sst s0  }
0x9: {  	[smem:$0x3FAF] =	sst s1  }
0xa: {  	[smem:$0x3FB0] =	sst s2  }
0xb: {  	[smem:$0x3FB1] =	sst s3  }
0xc: {  	[smem:$0x3FB2] =	sst s4  }
0xd: {  	[smem:$0x3FB3] =	sst s5  }
0xe: {  	[smem:$0x3FB4] =	sst s6  }
0xf: {  	[smem:$0x3FB5] =	sst s7  }
0x10: {  	[smem:$0x3FB6] =	sst s8  }
0x11: {  	[smem:$0x3FB7] =	sst s9;
	s0 =	simm.s32 @!p0 $0x0  }
0x12: {  	s1 =	sld [smem:$0x3F9D];
	s0 =	simm.s32 @p0 $0x1  }
0x13: {  	[smem:$0x3FB8] =	sst s0;
	s0 =	simm.s32 @!p1 $0x0  }
0x14: {  	s2 =	sld [smem:$0x3F9C];
	s0 =	simm.s32 @p1 $0x1  }
0x15: {  	[smem:$0x3FB9] =	sst s0;
	s0 =	simm.s32 @!p2 $0x0  }
0x16: {  	s3 =	sld [smem:$0x3FDB];
	s0 =	simm.s32 @p2 $0x1  }
0x17: {  	s4 =	simm.s32 $0x1BF5;
	[smem:$0x3FBB] =	sst s0  }
0x18: {  	s0 =	sld [smem:$0x3F9E];
	_ =	swait.ge [sflag:s4], $0x0  }
0x19: {  	s7 =	sld [smem:$0x3F9F]  }
0x1a: {  	s8 =	sadd.s32 $0xFFFFE003, lr  }
0x1b: {  	s9 =	sadd.s32 $0xFFFFFEF7, lr;
	s5 =	simm.s32 $0xFFFFFFFF;
	p2 =	slt.u32 s8, $0xFFFFF086  }
0x1c: {  	p1 =	slt.u32 s9, $0xF7A;
	s5 =	simm.s32 @!p2 $0x0  }
0x1d: {  	s5 =	simm.s32 @p1 $0x1;
	p0 =	seq.s32 s7, s2  }
0x1e: {  	s7 =	smul.u32 @!p0 $0xF7A, s2;
	p2 =	seq.s32 @!p0 s5, $0x0  }
0x1f: {  	s9 =	smul.u32 $0xF7A, s1;
	s8 =	simm.s32 @!p0 $0x1BF5;
	p2 =	por !p2, p0  }
0x20: {  	[sflag:s8] =	ssyncset.s32 @!p0 $0xFFFFF086;
	s6 =	sadd.s32 @!p0 s3, s7;
	s7 =	simm.s32 @!p0 $0x108  }
0x21: {  	s3 =	sadd.s32 s3, s9;
	s6 =	sadd.s32 @!p0 $0x88, s6;
	s7 =	simm.s32 @p2 $0x1082  }
0x22: {  	[simem:s7], [sflag:s8] =	dma.local @!p0 [hbm:s6], $0xF7A  }
0x23: {  	s9 =	sor.u32 $0xD0000000, s2;
	s6 =	simm.s32 $0x108;
	_ =	swait.ge @!p0 [sflag:s8], $0x0  }
0x24: {  	s3 =	sadd.s32 $0x88, s3;
	s6 =	simm.s32 @!p1 $0x1082;
	[sflag:s4] =	ssyncset.s32 $0xFFFFF086  }
0x25: {  	[simem:s6], [sflag:s4] =	dma.local [hbm:s3], $0xF7A  }
0x26: {  	[smem:$0x3F9F] =	sst s1;
	(tag) =	ssettag s2;
	_ =	strace s9  }
0x27: {  	s1 =	sld [smem:$0x3FAF]  }
0x28: {  	s2 =	sld [smem:$0x3FB0]  }
0x29: {  	s4 =	sld [smem:$0x3FB2]  }
0x2a: {  	p0 =	seq.s32 s5, $0x0;
	s5 =	sld [smem:$0x3FB3]  }
0x2b: {  	s6 =	sld [smem:$0x3FB4]  }
0x2c: {  	s7 =	sld [smem:$0x3FB5]  }
0x2d: {  	s3 =	simm.s32 $0x108;
	s8 =	sld [smem:$0x3FB6]  }
0x2e: {  	s3 =	simm.s32 @!p0 $0x1082;
	s9 =	sld [smem:$0x3FB7]  }
0x2f: {  	lr =	sadd.s32 s0, s3;
	s0 =	sld [smem:$0x3FAE]  }
0x30: {  	s3 =	sld [smem:$0x3FB1]  }
0x31: {  	[smem:$0x3FBA] =	sst s10  }
0x32: {  	s10 =	sld [smem:$0x3FB8];
	_ =	sdelay $0x3  }
0x33: {  	p0 =	seq.s32 s10, $0x1;
	s10 =	sld [smem:$0x3FBA];
	_ =	sdelay $0x3  }
0x34: {  	[smem:$0x3FBA] =	sst s10  }
0x35: {  	s10 =	sld [smem:$0x3FB9];
	_ =	sdelay $0x3  }
0x36: {  	p1 =	seq.s32 s10, $0x1;
	s10 =	sld [smem:$0x3FBA];
	_ =	sdelay $0x3  }
0x37: {  	[smem:$0x3FBA] =	sst s10  }
0x38: {  	s10 =	sld [smem:$0x3FBB]  }
0x39: {  	_ = 	snop;
	(pc) =	sbr.ind lr, $3  }
0x3a: {  	_ = 	snop  }
0x3b: {  	_ = 	snop  }
0x3c: {  	p2 =	seq.s32 s10, $0x1;
	s10 =	sld [smem:$0x3FBA]  }
0x3d: {  	_ =	shalt  }
0x3e: {  	_ =	shalt  }
0x3f: {  	_ =	shalt  }
0x40: {  	_ =	shalt  }
0x41: {  	_ =	shalt  }
0x42: {  	_ =	shalt  }
0x43: {  	_ =	shalt  }
0x44: {  	_ =	shalt  }
0x45: {  	_ =	shalt  }
0x46: {  	_ =	shalt  }
0x47: {  	_ =	shalt  }
0x48: {  	_ =	shalt  }
0x49: {  	_ =	shalt  }
0x4a: {  	_ =	shalt  }
0x4b: {  	_ =	shalt  }
0x4c: {  	_ =	shalt  }
0x4d: {  	_ =	shalt  }
0x4e: {  	_ =	shalt  }
0x4f: {  	_ =	shalt  }
0x50: {  	_ =	shalt  }
0x51: {  	_ =	shalt  }
0x52: {  	_ =	shalt  }
0x53: {  	_ =	shalt  }
0x54: {  	_ =	shalt  }
0x55: {  	_ =	shalt  }
0x56: {  	_ =	shalt  }
0x57: {  	_ =	shalt  }
0x58: {  	_ =	shalt  }
0x59: {  	_ =	shalt  }
0x5a: {  	_ =	shalt  }
0x5b: {  	_ =	shalt  }
0x5c: {  	_ =	shalt  }
0x5d: {  	_ =	shalt  }
0x5e: {  	_ =	shalt  }
0x5f: {  	_ =	shalt  }
0x60: {  	_ =	shalt  }
0x61: {  	_ =	shalt  }
0x62: {  	_ =	shalt  }
0x63: {  	_ =	shalt  }
0x64: {  	_ =	shalt  }
0x65: {  	_ =	shalt  }
0x66: {  	_ =	shalt  }
0x67: {  	_ =	shalt  }
0x68: {  	_ =	shalt  }
0x69: {  	_ =	shalt  }
0x6a: {  	_ =	shalt  }
0x6b: {  	_ =	shalt  }
0x6c: {  	_ =	shalt  }
0x6d: {  	_ =	shalt  }
0x6e: {  	_ =	shalt  }
0x6f: {  	_ =	shalt  }
0x70: {  	_ =	shalt  }
0x71: {  	_ =	shalt  }
0x72: {  	_ =	shalt  }
0x73: {  	_ =	shalt  }
0x74: {  	_ =	shalt  }
0x75: {  	_ =	shalt  }
0x76: {  	_ =	shalt  }
0x77: {  	_ =	shalt  }
0x78: {  	_ =	shalt  }
0x79: {  	_ =	shalt  }
0x7a: {  	_ =	shalt  }
0x7b: {  	_ =	shalt  }
0x7c: {  	_ =	shalt  }
0x7d: {  	_ =	shalt  }
0x7e: {  	_ =	shalt  }
0x7f: {  	_ =	shalt  }
0x80: {  	_ =	shalt  }
0x81: {  	_ =	shalt  }
0x82: {  	_ =	shalt  }
0x83: {  	_ =	shalt  }
0x84: {  	_ =	shalt  }
0x85: {  	_ =	shalt  }
0x86: {  	_ =	shalt  }
0x87: {  	_ =	shalt  }
.Lfunc_end0:
.L_simem_size_0:
called_computation_lowered:
.L_overlay_start_0:
0x88: {  	s2 =	sld [smem:$0x3FD9]  }
0x89: {  	s3 =	sld [smem:$0x3FFE];
	_ =	sdelay $0x1  }
0x8a: {  	s1 =	srdreg.scid  }
0x8b: {  	s0 =	sand.u32 $0x1, s1  }
0x8c: {  	s17 =	sshll.u32 s0, $0xA;
	s2 =	sadd.s32 s3, s2  }
0x8d: {  	s2 =	sadd.s32 s2, s17  }
0x8e: {  	[smem:$0x3FC6] =	sst s2  }
0x8f: {  	_ = 	snop  }
0x90: {  	s2 =	sld [smem:$0x3FC8]  }
0x91: {  	s18 =	sld [smem:$0x3FD0];
	(tm) =	ssettm $0x1  }
0x92: {  	s4 =	sld [smem:$0x3FFB];
	_ =	sdelay $0x3  }
0x93: {  	_ =	strace s4  }
0x94: {  	s4 =	sld [smem:$0x3FFC];
	_ =	sdelay $0x3  }
0x95: {  	_ =	strace s4  }
0x96: {  	s4 =	sld [smem:$0x3FFD];
	_ =	sdelay $0x3  }
0x97: {  	_ =	strace s4  }
0x98: {  	_ =	strace $0x8FFFFFFF  }
0x99: {  	s19 =	sld [smem:$0x3FDB];
	_ =	sdelay $0x1  }
0x9a: {  	s5 =	simm.s32 $_scs_section_size  }
0x9b: {  	s6 =	simm.s32 $_size__tile_overlayer_lowered;
	s7 =	simm.s32 $_tile_overlayer_lowered  }
0x9c: {  	s22 =	simm.s32 $0x1BFF;
	s21 =	sshll.u32 s7, $0x1;
	s4 =	sadd.s32 s5, s19  }
0x9d: {  	s8 =	simm.s32 $0x0;
	s20 =	sshll.u32 s6, $0x1;
	s6 =	sadd.s32 s21, s4  }
0x9e: {  	[timem:s8], [sflag:s22] =	dma.local [hbm:s6], s20  }
0x9f: {  	_ =	swait.ge [sflag:s22], s20  }
0xa0: {  	s5 =	ssub.s32 $0x0, s20;
	[sflag:s22] =	ssyncset.done $0x0  }
0xa1: {  	[sflag:s22] =	ssyncadd.s32 s5;
	_ =	sdelay $0x1  }
0xa2: {  	s23 =	simm.s32 $0x1B8B  }
0xa3: {  	_ =	swait.ge [sflag:s23], $0x1  }
0xa4: {  	[sflag:s23] =	ssyncset.done $0x0  }
0xa5: {  	s25 =	simm.s32 $0x1B8E;
	s24 =	sld [smem:$0x3FFE];
	[sflag:s23] =	ssyncadd.s32 $0xFFFFFFFF  }
0xa6: {  	s26 =	simm.s32 $execute0_lowered;
	[smem:$0x3FD2] =	sst s25  }
0xa7: {  	s6 =	sshll.u32 s26, $0x1;
	_ =	strace $0x80000046;
	[dreg:$0x1] =	wrdreg $0xFFFFFFFF  }
0xa8: {  	s28 =	simm.s32 $_size_execute0_lowered;
	s4 =	sadd.s32 s4, s6;
	[dreg:$0x0] =	wrdreg $0x0  }
0xa9: {  	s6 =	sshll.u32 s28, $0x1;
	[dreg:$0x2] =	wrdreg s4  }
0xaa: {  	[dreg:$0x3] =	wrdreg s6  }
0xab: {  	[dreg:$0x4] =	wrdreg $0xC0  }
0xac: {  	_ =	task [dreg:s8], $0x5FFFF  }
0xad: {  	[dreg:$0x1] =	wrdreg $0xFFFFFFFF  }
0xae: {  	[dreg:$0x0] =	wrdreg $0x60  }
0xaf: {  	[dreg:$0x2] =	wrdreg s24  }
0xb0: {  	[dreg:$0x3] =	wrdreg s2  }
0xb1: {  	[dreg:$0x4] =	wrdreg s18  }
0xb2: {  	[dreg:$0x5] =	wrdreg $0x9  }
0xb3: {  	_ =	task.clear_ibuf [dreg:s8], $0x6FFFF;
	_ =	strace $0x90000046  }
0xb4: {  	s29 =	simm.s32 $0x9;
	_ =	strace $0x80000048  }
0xb5: {  	_ =	swait.ge [sflag:s29], $0x1  }
0xb6: {  	[sflag:s29] =	ssyncadd.s32 $0xFFFFFFFF  }
0xb7: {  	_ =	strace $0x90000048  }
0xb8: {  	_ =	sfence  }
0xb9: {  	s30 =	sld [smem:$0x0];
	_ =	sdelay $0x2  }
0xba: {  	s31 =	sshll.u32 s1, $0xD;
	s1 =	sshrl.u32 s1, $0x2  }
0xbb: {  	s3 =	sand.u32 $0x4000, s31;
	s1 =	sadd.s32 s1, s30  }
0xbc: {  	s0 =	sor.u32 s3, s0;
	s1 =	sshll.u32 s1, $0x11  }
0xbd: {  	s0 =	sor.u32 s1, s0  }
0xbe: {  	s0 =	sadd.s32 $0x8F2B, s0  }
0xbf: {  	[sflag:s0] =	ssyncadd.remote.s32 $0x1  }
0xc0: {  	_ =	sfence.sel $0xFFFF  }
0xc1: {  	[dreg:$0x0] =	wrdreg $0xFFFFFFFF;
	(pc) =	sbr.abs _section_cstart, $3  }
0xc2: {  	[dreg:$0x1] =	wrdreg $0xFFFFFFFF  }
0xc3: {  	_ =	task.clear_ibuf [dreg:s8], $0x2FFFF;
	_ =	strace $0x9FFFFFFF  }
0xc4: {  	(tm) =	ssettm $0x7FFFFFFF  }
0xc5: {  	_ =	shalt  }
tec
execute0_lowered:
.L_overlay_start_1:
0x0: {  	(tag) =	ssettag $0x1  }
0x1: {  	s9 =	rddreg [dreg:$0x0]  }
0x2: {  	s3 =	rddreg [dreg:$0x1]  }
0x3: {  	s4 =	rddreg [dreg:$0x2]  }
0x4: {  	s0 =	srdreg.scid;
	s1 =	stileid.u32;
	s5 =	simm.s32 $0x0  }
0x5: {  	s13 =	simm.s32 $0x8C80;
	s14 =	simm.s32 $0x11900;
	s15 =	simm.s32 $0x400  }
0x6: {  	s16 =	simm.s32 $0x40000;
	s17 =	simm.s32 $0x1A580;
	s18 =	simm.s32 $0x1B180  }
0x7: {  	s19 =	simm.s32 $0x3;
	s20 =	simm.s32 $0x1;
	s21 =	simm.s32 $0x1BD80  }
0x8: {  	s22 =	simm.s32 $0x2;
	s23 =	simm.s32 $0x4;
	s24 =	simm.s32 $0x1C980  }
0x9: {  	s25 =	simm.s32 $0x0;
	s0 =	sand.u32 $0x1, s0;
	s6 =	smul.u32 $0xC0000, s1  }
.Ltmp0:
0xa: {  	[smem:$0x7FF] =	sst s5;
	s2 =	sshll.u32 s0, $0x11;
	(pc) =	sbr.rel .LBB2_1-.Ltmp0, $4  }
0xb: {  	s8 =	sadd.s32 $0x11A0, s9;
	s30 =	ssub.s32 $0x2, s0;
	s2 =	sor.u32 s2, s6  }
0xc: {  	s9 =	sadd.s32 $0x2340, s9;
	s7 =	sshrl.u32 s30, $0x1;
	s31 =	sshrl.u32 s2, $0x3  }
0xd: {  	_ =	strace $0x80000047;
	s1 =	ssub.s32 s30, s7;
	s10 =	sadd.s32 s3, s31  }
0xe: {  	s7 =	sshll.u32 s0, $0x5;
	s12 =	smax.u32 s1, $0x1;
	s11 =	sadd.s32 $0x80, s10  }
.LBB2_12:
0xf: {  	s25 =	sadd.s32 $0x1, s25  }
0x10: {  	_ =	swait.ge [sflag:s19], $0xC00;
	p0 =	sne.s32 s25, s12  }
.Ltmp1:
0x11: {  	[sflag:s19] =	ssyncset.done $0x0;
	(pc) =	sbr.rel @!p0 .LBB2_13-.Ltmp1, $4  }
0x12: {  	[sflag:s19] =	ssyncadd.s32 $0xFFFFF400  }
0x13: {  	_ =	swait.ge [sflag:s23], $0xC00  }
0x14: {  	[sflag:s23] =	ssyncset.done $0x0  }
0x15: {  	[sflag:s23] =	ssyncadd.s32 $0xFFFFF400  }
.LBB2_1:
0x16: {  	s0 =	rddreg [dreg:$0x0]  }
0x17: {  	[tilespmem:s5], [sflag:$0x3] =	stream.linear.gather [hbm4b:s0+s5], $0x8C61, $0x38;
	[tilespmem:$0x1D580] =	vst v63  }
0x18: {  	_ = 	snop  }
0x19: {  	[tilespmem:s13], [sflag:$0x3] =	stream.linear.gather [hbm4b:s8+s5], $0x8C61, $0x38;
	[tilespmem:$0x1D580] =	vst v63  }
0x1a: {  	_ = 	snop  }
0x1b: {  	[tilespmem:s14], [sflag:$0x3] =	stream.linear.gather [hbm4b:s9+s5], $0x8C61, $0x38;
	[tilespmem:$0x1D580] =	vst v63  }
0x1c: {  	_ = 	snop  }
0x1d: {  	[tilespmem:s17], [sflag:$0x1] =	stream.strided.gather [hbm4b:s10+s15], $0xC00, s16, s15, $0x38;
	[tilespmem:$0x1D580] =	vst v63  }
0x1e: {  	_ = 	snop  }
0x1f: {  	[tilespmem:s18], [sflag:$0x2] =	stream.strided.gather [hbm4b:s11+s15], $0xC00, s16, s15, $0x38;
	[tilespmem:$0x1D580] =	vst v63  }
0x20: {  	_ =	swait.ge [sflag:s19], $0x8C61  }
0x21: {  	[sflag:s19] =	ssyncset.done $0x0  }
0x22: {  	[sflag:s19] =	ssyncadd.s32 $0xFFFF739F  }
0x23: {  	_ =	swait.ge [sflag:s19], $0x8C61  }
0x24: {  	[sflag:s19] =	ssyncset.done $0x0  }
0x25: {  	[sflag:s19] =	ssyncadd.s32 $0xFFFF739F  }
0x26: {  	_ =	swait.ge [sflag:s19], $0x8C61  }
0x27: {  	[sflag:s19] =	ssyncset.done $0x0  }
0x28: {  	s26 =	simm.s32 $0x0;
	[sflag:s19] =	ssyncadd.s32 $0xFFFF739F  }
.LBB2_2:
0x29: {  	_ =	swait.ge [sflag:s20], $0xC00  }
0x2a: {  	p0 =	seq.s32 s26, $0x0;
	[sflag:s20] =	ssyncset.done $0x0  }
0x2b: {  	s0 =	simm.s32 @!p0 $0x3;
	[sflag:s20] =	ssyncadd.s32 $0xFFFFF400  }
0x2c: {  	_ =	swait.ge @!p0 [sflag:s0], $0xC00  }
0x2d: {  	[sflag:s0] =	ssyncset.done @!p0 $0x0  }
0x2e: {  	s2 =	simm.s32 $0x1A990;
	[sflag:s0] =	ssyncadd.s32 @!p0 $0xFFFFF400  }
0x2f: {  	v0 =	vld [tilespmem:s2+$0x0]  }
0x30: {  	v1 =	vld [tilespmem:s2+$0x400]  }
0x31: {  	v2 =	vld [tilespmem:s2+$0xFFFFFC00];
	_ =	sdelay $0x2  }
0x32: {  	v0 =	vmul.f32 $3.200000000e+01, v0  }
0x33: {  	v1 =	vmul.f32 $3.200000000e+01, v1  }
0x34: {  	v2 =	vmul.f32 $3.200000000e+01, v2;
	v3 =	vmin.f32 v0, $3.100000000e+01  }
0x35: {  	v4 =	vmin.f32 v1, $3.100000000e+01;
	v3 =	vtrunc.f32 v3  }
0x36: {  	v5 =	vmin.f32 v2, $3.100000000e+01;
	v4 =	vtrunc.f32 v4;
	v3 =	vcvt.f32.s32 v3  }
0x37: {  	v5 =	vtrunc.f32 v5;
	v4 =	vcvt.f32.s32 v4  }
0x38: {  	v7 =	vld [tilespmem:s2+$0xFFFFFFF0];
	v5 =	vcvt.f32.s32 v5;
	v6 =	vmul.u32 $0x21, v3  }
0x39: {  	v9 =	vld [tilespmem:s2+$0x3F0];
	v8 =	vmul.u32 $0x441, v4  }
0x3a: {  	v6 =	vadd.s32 v5, v6  }
0x3b: {  	v6 =	vadd.s32 v8, v6;
	_ =	sdelay $0x1  }
0x3c: {  	v7 =	vmul.f32 $3.200000000e+01, v7  }
0x3d: {  	v9 =	vmul.f32 $3.200000000e+01, v9;
	v10 =	vadd.s32 $0x1, v6  }
0x3e: {  	v12 =	vmin.f32 v7, $3.100000000e+01;
	v8 =	vld [tilespmem:s2+$0xFFFFFBF0];
	v11 =	vadd.s32 $0x21, v6  }
0x3f: {  	v19 =	vmin.f32 v9, $3.100000000e+01;
	v12 =	vtrunc.f32 v12;
	v14 =	vadd.s32 $0x22, v6;
	v13 =	vld.idx.msk [tilespmem:v6+s14+$0x0], $0xffff  }
0x40: {  	v3 =	vcvt.s32.f32 v3;
	v4 =	vcvt.s32.f32 v4;
	v16 =	vadd.s32 $0x463, v6;
	v17 =	vld.idx.msk [tilespmem:v6+s5+$0x0], $0xffff  }
0x41: {  	v19 =	vtrunc.f32 v19;
	v5 =	vcvt.s32.f32 v5;
	v18 =	vadd.s32 $0x441, v6;
	v21 =	vld.idx.msk [tilespmem:v6+s13+$0x0], $0xffff  }
0x42: {  	v0 =	vsub.f32 v0, v3;
	v4 =	vsub.f32 v1, v4;
	v22 =	vadd.s32 $0x442, v6;
	v15 =	vld.idx.msk [tilespmem:v10+s14+$0x0], $0xffff  }
0x43: {  	v12 =	vcvt.f32.s32 v12;
	v19 =	vcvt.f32.s32 v19;
	v2 =	vsub.f32 v2, v5;
	v20 =	vld.idx.msk [tilespmem:v11+s14+$0x0], $0xffff  }
0x44: {  	v23 =	vsub.f32 $1.000000000e+00, v0;
	v24 =	vsub.f32 $1.000000000e+00, v4;
	v5 =	vld.idx.msk [tilespmem:v14+s14+$0x0], $0xffff  }
0x45: {  	v25 =	vmul.u32 $0x21, v12;
	v12 =	vcvt.s32.f32 v12;
	v30 =	vcvt.s32.f32 v19;
	v1 =	vld.idx.msk [tilespmem:v16+s5+$0x0], $0xffff  }
0x46: {  	v28 =	vmul.f32 v24, v23;
	v29 =	vsub.f32 $1.000000000e+00, v2;
	v8 =	vmul.f32 $3.200000000e+01, v8;
	v26 =	vld.idx.msk [tilespmem:v18+s14+$0x0], $0xffff  }
0x47: {  	v24 =	vmul.f32 v24, v0;
	v23 =	vmul.f32 v23, v4;
	v6 =	vadd.s32 $0x462, v6;
	v31 =	vld.idx.msk [tilespmem:v22+s14+$0x0], $0xffff  }
0x48: {  	v0 =	vmul.f32 v4, v0;
	v32 =	vmul.f32 v28, v29;
	v38 =	vld.idx.msk [tilespmem:v18+s5+$0x0], $0xffff;
	v3 =	vmin.f32 v8, $3.100000000e+01  }
0x49: {  	v7 =	vsub.f32 v7, v12;
	v12 =	vmul.f32 v28, v2;
	v18 =	vld.idx.msk [tilespmem:v18+s13+$0x0], $0xffff;
	v3 =	vtrunc.f32 v3  }
0x4a: {  	v9 =	vsub.f32 v9, v30;
	v30 =	vmul.f32 v24, v29;
	v27 =	vcvt.f32.s32 v3;
	v3 =	vld.idx.msk [tilespmem:v16+s13+$0x0], $0xffff  }
0x4b: {  	v19 =	vmul.u32 $0x441, v19;
	v24 =	vmul.f32 v24, v2;
	v16 =	vld.idx.msk [tilespmem:v16+s14+$0x0], $0xffff;
	v13 =	vmul.f32 v32, v13  }
0x4c: {  	v34 =	vsub.f32 $1.000000000e+00, v7;
	v28 =	vld.idx.msk [tilespmem:v6+s14+$0x0], $0xffff;
	v17 =	vmul.f32 v32, v17;
	v21 =	vmul.f32 v32, v21  }
0x4d: {  	v33 =	vld.idx.msk [tilespmem:v6+s5+$0x0], $0xffff;
	v25 =	vadd.s32 v27, v25;
	v27 =	vcvt.s32.f32 v27;
	v15 =	vmul.f32 v12, v15  }
0x4e: {  	v35 =	vld.idx.msk [tilespmem:v6+s13+$0x0], $0xffff;
	v6 =	vsub.f32 $1.000000000e+00, v9;
	v20 =	vmul.f32 v20, v30;
	v5 =	vmul.f32 v5, v24  }
0x4f: {  	v19 =	vadd.s32 v19, v25;
	v25 =	vmul.f32 v23, v29;
	v8 =	vsub.f32 v8, v27;
	v27 =	vld.idx.msk [tilespmem:v22+s5+$0x0], $0xffff  }
0x50: {  	v36 =	vmul.f32 v6, v34;
	v29 =	vmul.f32 v0, v29;
	v22 =	vld.idx.msk [tilespmem:v22+s13+$0x0], $0xffff  }
0x51: {  	v13 =	vadd.f32 v15, v13;
	v15 =	vmul.f32 v23, v2;
	v4 =	vmul.f32 v26, v25;
	v26 =	vld.idx.msk [tilespmem:v14+s5+$0x0], $0xffff  }
0x52: {  	v6 =	vmul.f32 v6, v7;
	v7 =	vmul.f32 v9, v7;
	v14 =	vld.idx.msk [tilespmem:v14+s13+$0x0], $0xffff  }
0x53: {  	v39 =	vadd.s32 $0x1, v19;
	v13 =	vadd.f32 v20, v13;
	v20 =	vmul.f32 v31, v15;
	v31 =	vld.idx.msk [tilespmem:v11+s5+$0x0], $0xffff  }
0x54: {  	v40 =	vadd.s32 $0x21, v19;
	v38 =	vmul.f32 v38, v25;
	v18 =	vmul.f32 v18, v25;
	v11 =	vld.idx.msk [tilespmem:v11+s13+$0x0], $0xffff  }
0x55: {  	v37 =	vsub.f32 $1.000000000e+00, v8;
	v5 =	vadd.f32 v5, v13;
	v13 =	vmul.f32 v0, v2;
	v0 =	vld.idx.msk [tilespmem:v10+s5+$0x0], $0xffff  }
0x56: {  	v41 =	vadd.s32 $0x22, v19;
	v28 =	vmul.f32 v28, v29;
	v51 =	vmul.f32 v6, v8;
	v10 =	vld.idx.msk [tilespmem:v10+s13+$0x0], $0xffff  }
0x57: {  	v43 =	vadd.s32 $0x441, v19;
	v23 =	vmul.f32 v36, v37;
	v36 =	vmul.f32 v36, v8;
	v25 =	vld.idx.msk [tilespmem:v19+s5+$0x0], $0xffff  }
0x58: {  	v42 =	vmul.f32 v6, v37;
	v2 =	vadd.f32 v4, v5;
	v4 =	vmul.f32 v16, v13;
	v16 =	vld.idx.msk [tilespmem:v39+s5+$0x0], $0xffff  }
0x59: {  	v52 =	vadd.s32 $0x442, v19;
	v5 =	vmul.f32 v34, v9;
	v9 =	vmul.f32 v27, v15;
	v27 =	vld.idx.msk [tilespmem:v39+s13+$0x0], $0xffff  }
0x5a: {  	v39 =	vld.idx.msk [tilespmem:v39+s14+$0x0], $0xffff;
	v26 =	vmul.f32 v26, v24;
	v15 =	vmul.f32 v22, v15;
	v6 =	vadd.f32 v20, v2  }
0x5b: {  	v44 =	vadd.s32 $0x462, v19;
	v22 =	vld.idx.msk [tilespmem:v19+s13+$0x0], $0xffff;
	v11 =	vmul.f32 v11, v30;
	v0 =	vmul.f32 v12, v0  }
0x5c: {  	v20 =	vmul.f32 v5, v37;
	v10 =	vmul.f32 v12, v10;
	v12 =	vld.idx.msk [tilespmem:v40+s5+$0x0], $0xffff;
	v6 =	vadd.f32 v28, v6  }
0x5d: {  	v2 =	vmul.f32 v5, v8;
	v28 =	vadd.s32 $0x463, v19;
	v19 =	vld.idx.msk [tilespmem:v19+s14+$0x0], $0xffff;
	v0 =	vadd.f32 v0, v17  }
0x5e: {  	v17 =	vld.idx.msk [tilespmem:v40+s13+$0x0], $0xffff;
	v6 =	vadd.f32 v4, v6;
	v4 =	vmul.f32 v14, v24;
	v14 =	vmul.f32 v30, v31  }
0x5f: {  	v5 =	vmul.f32 v7, v37;
	v16 =	vmul.f32 v36, v16;
	v10 =	vadd.f32 v10, v21;
	v21 =	vld.idx.msk [tilespmem:v40+s14+$0x0], $0xffff  }
0x60: {  	v27 =	vmul.f32 v36, v27;
	v22 =	vmul.f32 v23, v22;
	v30 =	vld.idx.msk [tilespmem:v41+s5+$0x0], $0xffff;
	v14 =	vadd.f32 v0, v14  }
0x61: {  	v0 =	vmul.f32 v7, v8;
	v7 =	vmul.f32 v23, v25;
	v8 =	vadd.f32 v10, v11;
	v10 =	vld.idx.msk [tilespmem:v41+s13+$0x0], $0xffff  }
0x62: {  	v24 =	vmul.f32 v33, v29;
	v29 =	vmul.f32 v35, v29;
	v25 =	vld.idx.msk [tilespmem:v41+s14+$0x0], $0xffff;
	v14 =	vadd.f32 v26, v14  }
0x63: {  	v11 =	vmul.f32 v36, v39;
	v7 =	vadd.f32 v16, v7;
	v4 =	vadd.f32 v4, v8;
	v16 =	vld.idx.msk [tilespmem:v43+s5+$0x0], $0xffff  }
0x64: {  	v12 =	vmul.f32 v42, v12;
	v19 =	vmul.f32 v23, v19;
	v8 =	vadd.f32 v27, v22;
	v22 =	vld.idx.msk [tilespmem:v43+s13+$0x0], $0xffff  }
0x65: {  	v17 =	vmul.f32 v17, v42;
	v14 =	vadd.f32 v38, v14;
	v4 =	vadd.f32 v18, v4;
	v18 =	vld.idx.msk [tilespmem:v43+s14+$0x0], $0xffff  }
0x66: {  	v11 =	vadd.f32 v11, v19;
	v7 =	vadd.f32 v7, v12;
	v12 =	vmul.f32 v21, v42;
	v21 =	vld.idx.msk [tilespmem:v52+s13+$0x0], $0xffff  }
0x67: {  	s1 =	simm.s32 $0x1A9B0;
	v19 =	vmul.f32 v30, v51;
	v17 =	vadd.f32 v8, v17;
	v9 =	vadd.f32 v9, v14;
	v14 =	vld.idx.msk [tilespmem:v52+s5+$0x0], $0xffff  }
0x68: {  	v10 =	vmul.f32 v10, v51;
	v4 =	vadd.f32 v15, v4;
	v15 =	vld [tilespmem:s1+$0x0];
	v12 =	vadd.f32 v12, v11  }
0x69: {  	v7 =	vadd.f32 v19, v7;
	v19 =	vmul.f32 v25, v51;
	v8 =	vadd.f32 v24, v9;
	v9 =	vld [tilespmem:s1+$0x400]  }
0x6a: {  	v10 =	vadd.f32 v10, v17;
	v17 =	vmul.f32 v16, v20;
	v11 =	vadd.f32 v29, v4;
	v4 =	vld [tilespmem:s1+$0xFFFFFC00]  }
0x6b: {  	v25 =	vld.idx.msk [tilespmem:v52+s14+$0x0], $0xffff;
	v22 =	vmul.f32 v22, v20;
	v16 =	vmul.f32 v1, v13  }
0x6c: {  	v19 =	vadd.f32 v19, v12;
	v12 =	vmul.f32 v3, v13;
	v1 =	vmul.f32 v18, v20  }
0x6d: {  	v7 =	vadd.f32 v17, v7;
	v20 =	vmul.f32 v21, v2;
	v3 =	vmul.f32 $3.200000000e+01, v15  }
0x6e: {  	v13 =	vld [tilespmem:s1+$0xFFFFFFF0];
	v10 =	vadd.f32 v22, v10;
	v14 =	vmul.f32 v14, v2;
	v9 =	vmul.f32 $3.200000000e+01, v9  }
0x6f: {  	v18 =	vld [tilespmem:s1+$0x3F0];
	v15 =	vadd.f32 v1, v19;
	v4 =	vmul.f32 $3.200000000e+01, v4;
	v1 =	vmin.f32 v3, $3.100000000e+01  }
0x70: {  	v19 =	vld [tilespmem:s1+$0xFFFFFBF0];
	v25 =	vmul.f32 v25, v2;
	v1 =	vtrunc.f32 v1;
	v17 =	vmin.f32 v9, $3.100000000e+01  }
0x71: {  	v21 =	vmin.f32 v4, $3.100000000e+01;
	v1 =	vcvt.f32.s32 v1;
	v22 =	vtrunc.f32 v17  }
0x72: {  	v17 =	vadd.f32 v14, v7;
	v7 =	vtrunc.f32 v21;
	v14 =	vcvt.f32.s32 v22  }
0x73: {  	v13 =	vmul.f32 $3.200000000e+01, v13;
	v7 =	vcvt.f32.s32 v7;
	v22 =	vmul.u32 $0x21, v1  }
0x74: {  	v21 =	vadd.f32 v20, v10;
	v10 =	vmul.f32 $3.200000000e+01, v18;
	v18 =	vmul.u32 $0x441, v14  }
0x75: {  	v23 =	vld.idx.msk [tilespmem:v44+s13+$0x0], $0xffff;
	v26 =	vmul.f32 $3.200000000e+01, v19;
	v19 =	vadd.s32 v7, v22  }
0x76: {  	v25 =	vadd.f32 v25, v15;
	v24 =	vmin.f32 v13, $3.100000000e+01;
	v20 =	vld.idx.msk [tilespmem:v44+s5+$0x0], $0xffff;
	v29 =	vadd.s32 v18, v19  }
0x77: {  	v53 =	vcvt.s32.f32 v1;
	v1 =	vld.idx.msk [tilespmem:v28+s14+$0x0], $0xffff;
	v27 =	vmin.f32 v10, $3.100000000e+01;
	v22 =	vtrunc.f32 v24  }
0x78: {  	v31 =	vmin.f32 v26, $3.100000000e+01;
	v24 =	vld.idx.msk [tilespmem:v44+s14+$0x0], $0xffff;
	v27 =	vtrunc.f32 v27;
	v14 =	vcvt.s32.f32 v14  }
0x79: {  	v31 =	vtrunc.f32 v31;
	v7 =	vcvt.s32.f32 v7;
	v18 =	vld.idx.msk [tilespmem:v28+s5+$0x0], $0xffff;
	v30 =	vadd.s32 $0x1, v29  }
0x7a: {  	v22 =	vcvt.f32.s32 v22;
	v27 =	vcvt.f32.s32 v27;
	v19 =	vld.idx.msk [tilespmem:v28+s13+$0x0], $0xffff;
	v33 =	vadd.s32 $0x21, v29  }
0x7b: {  	v31 =	vcvt.f32.s32 v31;
	v7 =	vsub.f32 v4, v7;
	v32 =	vadd.s32 $0x22, v29;
	v4 =	vld.idx.msk [tilespmem:v29+s14+$0x0], $0xffff  }
0x7c: {  	v28 =	vsub.f32 v3, v53;
	v9 =	vsub.f32 v9, v14;
	v56 =	vadd.s32 $0x463, v29;
	v37 =	vld.idx.msk [tilespmem:v29+s5+$0x0], $0xffff  }
0x7d: {  	v20 =	vmul.f32 v20, v5;
	v14 =	vmul.u32 $0x21, v22;
	v38 =	vadd.s32 $0x441, v29;
	v59 =	vld.idx.msk [tilespmem:v29+s13+$0x0], $0xffff  }
0x7e: {  	v22 =	vcvt.s32.f32 v22;
	v61 =	vcvt.s32.f32 v27;
	v45 =	vadd.s32 $0x442, v29;
	v55 =	vld.idx.msk [tilespmem:v30+s14+$0x0], $0xffff  }
0x7f: {  	v27 =	vmul.u32 $0x441, v27;
	v54 =	vsub.f32 $1.000000000e+00, v28;
	v3 =	vsub.f32 $1.000000000e+00, v9;
	v57 =	vld.idx.msk [tilespmem:v33+s14+$0x0], $0xffff  }
0x80: {  	v63 =	vsub.f32 $1.000000000e+00, v7;
	v14 =	vadd.s32 v31, v14;
	v31 =	vcvt.s32.f32 v31;
	v46 =	vld.idx.msk [tilespmem:v32+s14+$0x0], $0xffff  }
0x81: {  	v13 =	vsub.f32 v13, v22;
	v62 =	vmul.f32 v3, v54;
	v58 =	vmul.f32 v3, v28;
	v3 =	vld.idx.msk [tilespmem:v56+s5+$0x0], $0xffff  }
0x82: {  	v10 =	vsub.f32 v10, v61;
	v34 =	vmul.f32 v54, v9;
	v9 =	vmul.f32 v9, v28;
	v48 =	vld.idx.msk [tilespmem:v38+s14+$0x0], $0xffff  }
0x83: {  	v29 =	vadd.s32 $0x462, v29;
	v22 =	vmul.f32 v62, v63;
	v40 =	vmul.f32 v62, v7;
	v60 =	vld.idx.msk [tilespmem:v45+s14+$0x0], $0xffff  }
0x84: {  	v26 =	vsub.f32 v26, v31;
	v39 =	vmul.f32 v58, v63;
	v43 =	vmul.f32 v58, v7;
	v31 =	vld.idx.msk [tilespmem:v56+s14+$0x0], $0xffff  }
0x85: {  	v49 =	vsub.f32 $1.000000000e+00, v13;
	v36 =	vmul.f32 v34, v63;
	v34 =	vmul.f32 v34, v7;
	v54 =	vld.idx.msk [tilespmem:v45+s5+$0x0], $0xffff  }
0x86: {  	v50 =	vsub.f32 $1.000000000e+00, v10;
	v45 =	vld.idx.msk [tilespmem:v45+s13+$0x0], $0xffff;
	v47 =	vmul.f32 v22, v4;
	v35 =	vmul.f32 v40, v55  }
0x87: {  	v27 =	vadd.s32 v27, v14;
	v41 =	vmul.f32 v9, v63;
	v63 =	vld.idx.msk [tilespmem:v38+s5+$0x0], $0xffff;
	v9 =	vmul.f32 v9, v7  }
0x88: {  	v14 =	vmul.f32 v50, v49;
	v61 =	vld.idx.msk [tilespmem:v29+s14+$0x0], $0xffff;
	v42 =	vmul.f32 v57, v39;
	v35 =	vadd.f32 v35, v47  }
0x89: {  	v20 =	vadd.f32 v20, v17;
	v37 =	vmul.f32 v22, v37;
	v44 =	vmul.f32 v22, v59;
	v22 =	vld.idx.msk [tilespmem:v32+s5+$0x0], $0xffff  }
0x8a: {  	v62 =	vmul.f32 v50, v13;
	v32 =	vld.idx.msk [tilespmem:v32+s13+$0x0], $0xffff;
	v46 =	vmul.f32 v46, v43;
	v35 =	vadd.f32 v42, v35  }
0x8b: {  	v51 =	vsub.f32 $1.000000000e+00, v26;
	v53 =	vmul.f32 v14, v26;
	v28 =	vld.idx.msk [tilespmem:v29+s5+$0x0], $0xffff;
	v48 =	vmul.f32 v48, v36  }
0x8c: {  	v38 =	vld.idx.msk [tilespmem:v38+s13+$0x0], $0xffff;
	v31 =	vmul.f32 v31, v9;
	v54 =	vmul.f32 v54, v34;
	v35 =	vadd.f32 v46, v35  }
0x8d: {  	v17 =	vld.idx.msk [tilespmem:v27+s14+$0x0], $0xffff;
	v55 =	vadd.s32 $0x21, v27;
	v42 =	vmul.f32 v61, v41;
	v61 =	vmul.f32 v10, v13  }
0x8e: {  	v4 =	vld.idx.msk [tilespmem:v56+s13+$0x0], $0xffff;
	v46 =	vmul.f32 v14, v51;
	v14 =	vmul.f32 v60, v34;
	v35 =	vadd.f32 v48, v35  }
0x8f: {  	v52 =	vadd.s32 $0x1, v27;
	v29 =	vld.idx.msk [tilespmem:v29+s13+$0x0], $0xffff;
	v32 =	vmul.f32 v32, v43;
	v60 =	vmul.f32 v49, v10  }
0x90: {  	s29 =	simm.s32 $0x1C190;
	v57 =	vld.idx.msk [tilespmem:v30+s5+$0x0], $0xffff;
	v58 =	vmul.f32 v28, v41;
	v34 =	vmul.f32 v45, v34;
	v7 =	vadd.f32 v14, v35  }
0x91: {  	[tilespmem:s29+$0x400] =	vst v6;
	v6 =	vadd.s32 $0x463, v27;
	v30 =	vld.idx.msk [tilespmem:v30+s13+$0x0], $0xffff;
	v15 =	vmul.f32 v61, v51;
	v13 =	vmul.f32 v60, v51  }
0x92: {  	v28 =	vld.idx.msk [tilespmem:v55+s5+$0x0], $0xffff;
	v48 =	vmul.f32 v63, v36;
	v2 =	vmul.f32 v60, v26;
	v7 =	vadd.f32 v42, v7  }
0x93: {  	v50 =	vadd.s32 $0x22, v27;
	v35 =	vmul.f32 v62, v51;
	v14 =	vmul.f32 v62, v26;
	v62 =	vld.idx.msk [tilespmem:v33+s5+$0x0], $0xffff  }
0x94: {  	v36 =	vmul.f32 v38, v36;
	v63 =	vmul.f32 v22, v43;
	v33 =	vld.idx.msk [tilespmem:v33+s13+$0x0], $0xffff;
	v31 =	vadd.f32 v31, v7  }
0x95: {  	s30 =	simm.s32 $0x1C1B0;
	v45 =	vld.idx.msk [tilespmem:v52+s13+$0x0], $0xffff;
	v22 =	vadd.f32 v16, v8;
	v16 =	vadd.f32 v12, v11;
	v11 =	vmul.f32 v23, v5  }
0x96: {  	v56 =	vadd.s32 $0x441, v27;
	v23 =	vmul.f32 v40, v57;
	v5 =	vmul.f32 v24, v5;
	[tilespmem:s30+$0x400] =	vst v31;
	v31 =	vld.idx.msk [tilespmem:v52+s5+$0x0], $0xffff  }
0x97: {  	v10 =	vadd.s32 $0x442, v27;
	v8 =	vld.idx.msk [tilespmem:v52+s14+$0x0], $0xffff;
	v24 =	vmul.f32 v40, v30;
	v17 =	vmul.f32 v46, v17  }
0x98: {  	v12 =	vld.idx.msk [tilespmem:v27+s5+$0x0], $0xffff;
	v21 =	vadd.f32 v11, v21;
	v30 =	vadd.f32 v23, v37;
	v51 =	vmul.f32 v39, v62  }
0x99: {  	v11 =	vmul.f32 v29, v41;
	v24 =	vadd.f32 v24, v44;
	v33 =	vmul.f32 v33, v39;
	v52 =	vld.idx.msk [tilespmem:v27+s13+$0x0], $0xffff  }
0x9a: {  	v60 =	vld.idx.msk [tilespmem:v50+s13+$0x0], $0xffff;
	v23 =	vmul.f32 v61, v26;
	v5 =	vadd.f32 v5, v25;
	v30 =	vadd.f32 v30, v51  }
0x9b: {  	v7 =	vadd.s32 $0x462, v27;
	v33 =	vadd.f32 v24, v33;
	v27 =	vmul.f32 v53, v31;
	v31 =	vld.idx.msk [tilespmem:v55+s13+$0x0], $0xffff  }
0x9c: {  	v26 =	vld.idx.msk [tilespmem:v55+s14+$0x0], $0xffff;
	v29 =	vmul.f32 v53, v45;
	v8 =	vmul.f32 v53, v8;
	v30 =	vadd.f32 v63, v30  }
0x9d: {  	v25 =	vld.idx.msk [tilespmem:v50+s5+$0x0], $0xffff;
	v28 =	vmul.f32 v35, v28;
	v12 =	vmul.f32 v46, v12;
	v32 =	vadd.f32 v32, v33  }
0x9e: {  	v8 =	vadd.f32 v8, v17;
	v17 =	vld.idx.msk [tilespmem:v56+s14+$0x0], $0xffff;
	v59 =	vmul.f32 v46, v52;
	v62 =	vadd.f32 v48, v30  }
0x9f: {  	v24 =	vmul.f32 v18, v0;
	v36 =	vadd.f32 v36, v32;
	v61 =	vadd.f32 v27, v12;
	v27 =	vld.idx.msk [tilespmem:v50+s14+$0x0], $0xffff  }
0xa0: {  	v18 =	vmul.f32 v19, v0;
	v19 =	vld.idx.msk [tilespmem:v56+s5+$0x0], $0xffff;
	v29 =	vadd.f32 v29, v59;
	v31 =	vmul.f32 v31, v35  }
0xa1: {  	v26 =	vmul.f32 v26, v35;
	v12 =	vld.idx.msk [tilespmem:v56+s13+$0x0], $0xffff;
	v63 =	vadd.f32 v54, v62;
	v33 =	vadd.f32 v34, v36  }
0xa2: {  	s28 =	sshll.u32 s26, $0x1;
	s0 =	simm.s32 $0x1C1B0;
	s2 =	sshrl.u32 s26, $0x1;
	v32 =	vmul.f32 v25, v14;
	v25 =	vld.idx.msk [tilespmem:v10+s5+$0x0], $0xffff;
	v30 =	vadd.f32 v61, v28;
	v28 =	vadd.f32 v29, v31  }
0xa3: {  	s31 =	sor.u32 s7, s2;
	s2 =	simm.s32 $0x20;
	s1 =	simm.s32 $0x1A9D0;
	v29 =	vadd.f32 v26, v8;
	v31 =	vmul.f32 v60, v14;
	v26 =	vld.idx.msk [tilespmem:v10+s13+$0x0], $0xffff;
	v8 =	vadd.f32 v58, v63  }
.LBB2_3:
0xa4: {  	v34 =	vld [tilespmem:s1+$0x0];
	s2 =	sadd.s32 $0x20, s2;
	v30 =	vadd.f32 v32, v30;
	v14 =	vmul.f32 v27, v14;
	v11 =	vadd.f32 v11, v33;
	[tilespmem:s29+$0xFFFFFC00] =	vst v22  }
0xa5: {  	v19 =	vmul.f32 v19, v13;
	v22 =	vmul.f32 v1, v0;
	v27 =	vld [tilespmem:s1+$0x400];
	p1 =	slt.u32 s2, $0x3E0;
	v28 =	vadd.f32 v31, v28;
	[tilespmem:s29+$0x0] =	vst v16  }
0xa6: {  	v16 =	vmul.f32 v3, v9;
	v1 =	vld [tilespmem:s1+$0xFFFFFC00];
	v14 =	vadd.f32 v14, v29;
	v29 =	vmul.f32 v12, v13;
	v12 =	vmovc v15  }
0xa7: {  	v0 =	vmovc v23;
	v19 =	vadd.f32 v19, v30;
	v13 =	vmul.f32 v17, v13;
	v17 =	vmul.f32 v4, v9;
	v3 =	vld [tilespmem:s1+$0xFFFFFFF0]  }
0xa8: {  	v24 =	vadd.f32 v24, v20;
	v23 =	vmul.f32 v25, v2;
	v4 =	vld [tilespmem:s1+$0x3F0];
	v9 =	vadd.f32 v29, v28  }
0xa9: {  	v15 =	vadd.f32 v13, v14;
	v14 =	vmul.f32 v26, v2;
	v28 =	vld [tilespmem:s1+$0xFFFFFBF0];
	v29 =	vmul.f32 $3.200000000e+01, v34  }
0xaa: {  	v20 =	vadd.f32 v23, v19;
	v27 =	vmul.f32 $3.200000000e+01, v27;
	v13 =	vld.idx.msk [tilespmem:v10+s14+$0x0], $0xffff;
	v10 =	vadd.f32 v18, v21;
	[tilespmem:s29+$0xFFFFFBF0] =	vst v24  }
0xab: {  	v21 =	vadd.f32 v14, v9;
	v30 =	vmul.f32 $3.200000000e+01, v1;
	v1 =	vmin.f32 v29, $3.100000000e+01;
	v24 =	vld.idx.msk [tilespmem:v7+s5+$0x0], $0xffff  }
0xac: {  	v3 =	vmul.f32 $3.200000000e+01, v3;
	v1 =	vtrunc.f32 v1;
	v9 =	vmin.f32 v27, $3.100000000e+01;
	v25 =	vld.idx.msk [tilespmem:v7+s13+$0x0], $0xffff;
	[tilespmem:s29+$0xFFFFFFF0] =	vst v10  }
0xad: {  	v10 =	vmin.f32 v30, $3.100000000e+01;
	v14 =	vcvt.f32.s32 v1;
	v1 =	vtrunc.f32 v9;
	v23 =	vld.idx.msk [tilespmem:v7+s14+$0x0], $0xffff  }
0xae: {  	v7 =	vmin.f32 v3, $3.100000000e+01;
	v9 =	vtrunc.f32 v10;
	v10 =	vcvt.f32.s32 v1;
	v18 =	vld.idx.msk [tilespmem:v6+s5+$0x0], $0xffff  }
0xaf: {  	v4 =	vmul.f32 $3.200000000e+01, v4;
	v9 =	vcvt.f32.s32 v9;
	v26 =	vmul.u32 $0x21, v14;
	v19 =	vld.idx.msk [tilespmem:v6+s13+$0x0], $0xffff  }
0xb0: {  	v28 =	vmul.f32 $3.200000000e+01, v28;
	v7 =	vtrunc.f32 v7;
	v31 =	vmul.u32 $0x441, v10;
	v1 =	vld.idx.msk [tilespmem:v6+s14+$0x0], $0xffff  }
0xb1: {  	v6 =	vcvt.f32.s32 v7;
	v7 =	vmin.f32 v4, $3.100000000e+01;
	v26 =	vadd.s32 v9, v26  }
0xb2: {  	v32 =	vmin.f32 v28, $3.100000000e+01;
	v7 =	vtrunc.f32 v7;
	v31 =	vadd.s32 v31, v26  }
0xb3: {  	v32 =	vtrunc.f32 v32;
	v7 =	vcvt.f32.s32 v7;
	v26 =	vadd.s32 $0x1, v31  }
0xb4: {  	v14 =	vcvt.s32.f32 v14;
	v10 =	vcvt.s32.f32 v10;
	v33 =	vmul.u32 $0x21, v6  }
0xb5: {  	v9 =	vcvt.s32.f32 v9;
	v32 =	vcvt.f32.s32 v32;
	v34 =	vadd.s32 $0x21, v31  }
0xb6: {  	v14 =	vsub.f32 v29, v14;
	v6 =	vcvt.s32.f32 v6;
	v10 =	vsub.f32 v27, v10  }
0xb7: {  	v9 =	vsub.f32 v30, v9;
	v30 =	vadd.s32 $0x22, v31;
	v27 =	vcvt.s32.f32 v7;
	v29 =	vld.idx.msk [tilespmem:v31+s14+$0x0], $0xffff  }
0xb8: {  	v35 =	vsub.f32 $1.000000000e+00, v14;
	v38 =	vadd.s32 $0x463, v31;
	v36 =	vsub.f32 $1.000000000e+00, v10;
	v37 =	vld.idx.msk [tilespmem:v26+s14+$0x0], $0xffff  }
0xb9: {  	v40 =	vadd.s32 $0x441, v31;
	v7 =	vmul.u32 $0x441, v7;
	v33 =	vadd.s32 v32, v33;
	v39 =	vld.idx.msk [tilespmem:v31+s5+$0x0], $0xffff  }
0xba: {  	v6 =	vsub.f32 v3, v6;
	v41 =	vsub.f32 $1.000000000e+00, v9;
	v3 =	vmul.f32 v36, v35;
	v42 =	vld.idx.msk [tilespmem:v34+s14+$0x0], $0xffff  }
0xbb: {  	v44 =	vadd.s32 $0x442, v31;
	v27 =	vsub.f32 v4, v27;
	v36 =	vmul.f32 v36, v14;
	v43 =	vld.idx.msk [tilespmem:v31+s13+$0x0], $0xffff  }
0xbc: {  	v33 =	vadd.s32 v7, v33;
	v45 =	vmul.f32 v3, v41;
	v46 =	vmul.f32 v3, v9;
	v7 =	vld.idx.msk [tilespmem:v30+s14+$0x0], $0xffff  }
0xbd: {  	v32 =	vcvt.s32.f32 v32;
	v47 =	vmul.f32 v36, v41;
	v31 =	vadd.s32 $0x462, v31;
	v3 =	vld.idx.msk [tilespmem:v38+s5+$0x0], $0xffff  }
0xbe: {  	v48 =	vadd.s32 $0x1, v33;
	v29 =	vmul.f32 v45, v29;
	v37 =	vmul.f32 v46, v37;
	v49 =	vld.idx.msk [tilespmem:v40+s14+$0x0], $0xffff  }
0xbf: {  	v50 =	vsub.f32 $1.000000000e+00, v6;
	v35 =	vmul.f32 v35, v10;
	v51 =	vsub.f32 $1.000000000e+00, v27;
	v4 =	vld.idx.msk [tilespmem:v38+s13+$0x0], $0xffff  }
0xc0: {  	v36 =	vmul.f32 v36, v9;
	v29 =	vadd.f32 v37, v29;
	v37 =	vmul.f32 v42, v47;
	v42 =	vld.idx.msk [tilespmem:v44+s14+$0x0], $0xffff  }
0xc1: {  	v28 =	vsub.f32 v28, v32;
	v52 =	vadd.s32 $0x21, v33;
	v32 =	vmul.f32 v51, v50;
	v38 =	vld.idx.msk [tilespmem:v38+s14+$0x0], $0xffff  }
0xc2: {  	v29 =	vadd.f32 v37, v29;
	v7 =	vmul.f32 v7, v36;
	v37 =	vmul.f32 v35, v41;
	v53 =	vld.idx.msk [tilespmem:v31+s14+$0x0], $0xffff  }
0xc3: {  	v14 =	vmul.f32 v10, v14;
	v55 =	vadd.s32 $0x22, v33;
	v54 =	vsub.f32 $1.000000000e+00, v28;
	v56 =	vld.idx.msk [tilespmem:v31+s5+$0x0], $0xffff  }
0xc4: {  	v7 =	vadd.f32 v7, v29;
	v10 =	vmul.f32 v49, v37;
	v29 =	vmul.f32 v35, v9;
	v31 =	vld.idx.msk [tilespmem:v31+s13+$0x0], $0xffff  }
0xc5: {  	v35 =	vmul.f32 v32, v54;
	v32 =	vmul.f32 v32, v28;
	v49 =	vadd.s32 $0x441, v33;
	v57 =	vld.idx.msk [tilespmem:v44+s5+$0x0], $0xffff  }
0xc6: {  	v41 =	vmul.f32 v14, v41;
	v7 =	vadd.f32 v10, v7;
	v42 =	vmul.f32 v42, v29;
	v44 =	vld.idx.msk [tilespmem:v44+s13+$0x0], $0xffff  }
0xc7: {  	v51 =	vmul.f32 v51, v6;
	v39 =	vmul.f32 v45, v39;
	v10 =	vadd.s32 $0x442, v33;
	v58 =	vld.idx.msk [tilespmem:v40+s5+$0x0], $0xffff  }
0xc8: {  	v9 =	vmul.f32 v14, v9;
	v42 =	vadd.f32 v42, v7;
	v53 =	vmul.f32 v53, v41;
	v40 =	vld.idx.msk [tilespmem:v40+s13+$0x0], $0xffff  }
0xc9: {  	v59 =	vmul.f32 v51, v54;
	v43 =	vmul.f32 v45, v43;
	v7 =	vadd.s32 $0x462, v33;
	v45 =	vld.idx.msk [tilespmem:v30+s5+$0x0], $0xffff  }
0xca: {  	v14 =	vmul.f32 v51, v28;
	v38 =	vmul.f32 v38, v9;
	v42 =	vadd.f32 v53, v42;
	v30 =	vld.idx.msk [tilespmem:v30+s13+$0x0], $0xffff  }
0xcb: {  	v50 =	vmul.f32 v50, v27;
	v27 =	vmul.f32 v27, v6;
	v6 =	vadd.s32 $0x463, v33;
	v51 =	vld.idx.msk [tilespmem:v34+s5+$0x0], $0xffff  }
0xcc: {  	v53 =	vmul.f32 v57, v29;
	v38 =	vadd.f32 v38, v42;
	v42 =	vmul.f32 v13, v2;
	v34 =	vld.idx.msk [tilespmem:v34+s13+$0x0], $0xffff  }
0xcd: {  	s30 =	sadd.s32 $0x20, s30;
	v5 =	vadd.f32 v22, v5;
	v13 =	vmul.f32 v50, v54;
	v58 =	vmul.f32 v58, v37;
	v57 =	vld.idx.msk [tilespmem:v26+s5+$0x0], $0xffff  }
0xce: {  	v2 =	vmul.f32 v50, v28;
	v37 =	vmul.f32 v40, v37;
	v26 =	vld.idx.msk [tilespmem:v26+s13+$0x0], $0xffff;
	[tilespmem:s30+$0x400] =	vst v38  }
0xcf: {  	v29 =	vmul.f32 v44, v29;
	v42 =	vadd.f32 v42, v15;
	v40 =	vmul.f32 v45, v36;
	v38 =	vld.idx.msk [tilespmem:v48+s5+$0x0], $0xffff  }
0xd0: {  	v22 =	vadd.f32 v16, v8;
	v15 =	vmul.f32 v27, v54;
	v30 =	vmul.f32 v30, v36;
	v44 =	vld.idx.msk [tilespmem:v48+s13+$0x0], $0xffff  }
0xd1: {  	v16 =	vadd.f32 v17, v11;
	v24 =	vmul.f32 v24, v12;
	v36 =	vmul.f32 v47, v51;
	v8 =	vld.idx.msk [tilespmem:v48+s14+$0x0], $0xffff  }
0xd2: {  	v11 =	vmul.f32 v25, v12;
	v34 =	vmul.f32 v34, v47;
	v17 =	vld.idx.msk [tilespmem:v33+s5+$0x0], $0xffff;
	[tilespmem:s29+$0x3F0] =	vst v5;
	s29 =	smov.u32 s0;
	s0 =	smov.u32 s30  }
0xd3: {  	v20 =	vadd.f32 v24, v20;
	v12 =	vmul.f32 v23, v12;
	v5 =	vmul.f32 v46, v57;
	v25 =	vld.idx.msk [tilespmem:v33+s13+$0x0], $0xffff  }
0xd4: {  	v21 =	vadd.f32 v11, v21;
	v45 =	vmul.f32 v56, v41;
	v24 =	vmul.f32 v46, v26;
	v33 =	vld.idx.msk [tilespmem:v33+s14+$0x0], $0xffff  }
0xd5: {  	v11 =	vmul.f32 v31, v41;
	v26 =	vmul.f32 v32, v38;
	v5 =	vadd.f32 v5, v39;
	v38 =	vld.idx.msk [tilespmem:v52+s5+$0x0], $0xffff  }
0xd6: {  	v23 =	vmul.f32 v27, v28;
	v31 =	vmul.f32 v32, v44;
	v24 =	vadd.f32 v24, v43;
	v39 =	vld.idx.msk [tilespmem:v52+s13+$0x0], $0xffff  }
0xd7: {  	v8 =	vmul.f32 v32, v8;
	v27 =	vadd.f32 v5, v36;
	v5 =	vadd.f32 v12, v42;
	v28 =	vld.idx.msk [tilespmem:v52+s14+$0x0], $0xffff  }
0xd8: {  	v12 =	vmul.f32 v35, v17;
	v17 =	vadd.f32 v24, v34;
	v24 =	vmul.f32 v18, v0;
	v32 =	vld.idx.msk [tilespmem:v55+s5+$0x0], $0xffff  }
0xd9: {  	v18 =	vmul.f32 v19, v0;
	v25 =	vmul.f32 v35, v25;
	v36 =	vadd.f32 v40, v27;
	v34 =	vld.idx.msk [tilespmem:v55+s13+$0x0], $0xffff  }
0xda: {  	v33 =	vmul.f32 v35, v33;
	v26 =	vadd.f32 v26, v12;
	v17 =	vadd.f32 v30, v17;
	v27 =	vld.idx.msk [tilespmem:v55+s14+$0x0], $0xffff  }
.Ltmp2:
0xdb: {  	v25 =	vadd.f32 v31, v25;
	v30 =	vmul.f32 v59, v38;
	v31 =	vadd.f32 v58, v36;
	v19 =	vld.idx.msk [tilespmem:v49+s5+$0x0], $0xffff;
	(pc) =	sbr.rel @p1 .LBB2_3-.Ltmp2, $4  }
0xdc: {  	v8 =	vadd.f32 v8, v33;
	v33 =	vmul.f32 v39, v59;
	v35 =	vadd.f32 v37, v17;
	v12 =	vld.idx.msk [tilespmem:v49+s13+$0x0], $0xffff  }
0xdd: {  	v30 =	vadd.f32 v26, v30;
	v26 =	vmul.f32 v28, v59;
	v36 =	vadd.f32 v53, v31;
	v17 =	vld.idx.msk [tilespmem:v49+s14+$0x0], $0xffff  }
0xde: {  	v28 =	vadd.f32 v25, v33;
	v32 =	vmul.f32 v32, v14;
	v33 =	vadd.f32 v29, v35;
	v25 =	vld.idx.msk [tilespmem:v10+s5+$0x0], $0xffff  }
0xdf: {  	s1 =	sadd.s32 $0x20, s1;
	v29 =	vadd.f32 v26, v8;
	v31 =	vmul.f32 v34, v14;
	v8 =	vadd.f32 v45, v36;
	v26 =	vld.idx.msk [tilespmem:v10+s13+$0x0], $0xffff  }
0xe0: {  	_ =	sdelay $0x3  }
0xe1: {  	v30 =	vadd.f32 v32, v30;
	v14 =	vmul.f32 v27, v14;
	v11 =	vadd.f32 v11, v33;
	v10 =	vld.idx.msk [tilespmem:v10+s14+$0x0], $0xffff  }
0xe2: {  	[tilespmem:s29+$0xFFFFFC00] =	vst v22;
	v19 =	vmul.f32 v19, v13;
	v45 =	vld.idx.msk [tilespmem:v7+s5+$0x0], $0xffff;
	v0 =	vmul.f32 v1, v0  }
0xe3: {  	v47 =	vld.idx.msk [tilespmem:v7+s13+$0x0], $0xffff;
	v3 =	vmul.f32 v3, v9;
	v4 =	vmul.f32 v4, v9;
	v20 =	vadd.f32 v24, v20  }
0xe4: {  	v49 =	vld.idx.msk [tilespmem:v7+s14+$0x0], $0xffff;
	v18 =	vadd.f32 v18, v21;
	v44 =	vadd.f32 v31, v28;
	v12 =	vmul.f32 v12, v13  }
0xe5: {  	v52 =	vld.idx.msk [tilespmem:v6+s5+$0x0], $0xffff;
	v46 =	vadd.f32 v14, v29;
	v19 =	vadd.f32 v19, v30;
	v48 =	vmul.f32 v17, v13  }
0xe6: {  	v54 =	vld.idx.msk [tilespmem:v6+s13+$0x0], $0xffff;
	v0 =	vadd.f32 v0, v5;
	v58 =	vadd.f32 v3, v8;
	v51 =	vmul.f32 v25, v2  }
0xe7: {  	v55 =	vld.idx.msk [tilespmem:v6+s14+$0x0], $0xffff;
	v50 =	vadd.f32 v12, v44;
	v1 =	vadd.f32 v48, v46;
	v53 =	vmul.f32 v26, v2  }
0xe8: {  	[tilespmem:s29+$0x0] =	vst v16;
	v12 =	vadd.f32 v51, v19;
	v56 =	vmul.f32 v10, v2;
	v57 =	vmul.f32 v45, v15  }
0xe9: {  	[tilespmem:s29+$0xFFFFFBF0] =	vst v20;
	v59 =	vmul.f32 v47, v15;
	v7 =	vmul.f32 v49, v15;
	v9 =	vadd.f32 v53, v50  }
0xea: {  	[tilespmem:s29+$0xFFFFFFF0] =	vst v18;
	v60 =	vmul.f32 v52, v23;
	v1 =	vadd.f32 v56, v1;
	v5 =	vadd.f32 v57, v12  }
0xeb: {  	s1 =	sshll.u32 s26, $0xB;
	v4 =	vadd.f32 v4, v11;
	[tilespmem:s29+$0x3F0] =	vst v0;
	v62 =	vmul.f32 v54, v23;
	v61 =	vadd.f32 v59, v9  }
0xec: {  	s2 =	sshll.u32 s31, $0xC;
	p1 =	sne.s32 s26, $0x3F;
	s1 =	sand.u32 $0x800, s1;
	[tilespmem:s0+$0xFFFFFC00] =	vst v58;
	v63 =	vmul.f32 v55, v23;
	v1 =	vadd.f32 v7, v1;
	v5 =	vadd.f32 v60, v5  }
.Ltmp3:
0xed: {  	s1 =	sor.u32 s2, s1;
	[tilespmem:s0+$0x0] =	vst v4;
	v0 =	vadd.f32 v62, v61;
	(pc) =	sbr.rel @p1 .LBB2_6-.Ltmp3, $4  }
0xee: {  	s1 =	sor.u32 s6, s1;
	[tilespmem:s0+$0xFFFFFBF0] =	vst v5;
	v1 =	vadd.f32 v63, v1  }
0xef: {  	s29 =	sshrl.u32 s1, $0x3;
	[tilespmem:s0+$0xFFFFFFF0] =	vst v0  }
0xf0: {  	s31 =	sadd.s32 s4, s29;
	[tilespmem:s0+$0x3F0] =	vst v1  }
0xf1: {  	[hbm4b:s31+s15] =	stream.strided.scatter [tilespmem:s21], [sflag:$0x3], $0xC00, s16, s15, $0x38;
	[tilespmem:$0x1D580] =	vst v63  }
.Ltmp4:
0xf2: {  	(pc) =	sbr.rel .LBB2_7-.Ltmp4, $4  }
0xf3: {  	_ = 	snop  }
0xf4: {  	_ =	swait.ge [sflag:s22], $0xC00  }
0xf5: {  	[sflag:s22] =	ssyncset.done $0x0  }
0xf6: {  	[sflag:s22] =	ssyncadd.s32 $0xFFFFF400  }
.LBB2_6:
0xf7: {  	s0 =	sadd.s32 $0x2, s28  }
0xf8: {  	s1 =	sshrl.u32 s0, $0x2  }
0xf9: {  	s1 =	sadd.s32 s7, s1  }
0xfa: {  	s0 =	sshll.u32 s0, $0xA;
	s1 =	sshll.u32 s1, $0xC  }
0xfb: {  	s0 =	sand.u32 $0x800, s0;
	s1 =	sadd.s32 s6, s1  }
0xfc: {  	s0 =	sor.u32 s0, s1  }
0xfd: {  	s0 =	sshrl.u32 s0, $0x3  }
.Ltmp5:
0xfe: {  	s0 =	sadd.s32 s3, s0;
	(pc) =	sbr.rel @p0 .LBB2_8-.Ltmp5, $4  }
0xff: {  	[tilespmem:s17], [sflag:$0x1] =	stream.strided.gather [hbm4b:s0+s15], $0xC00, s16, s15, $0x38;
	[tilespmem:$0x1D580] =	vst v63  }
0x100: {  	_ =	swait.ge [sflag:s22], $0xC00  }
0x101: {  	[sflag:s22] =	ssyncset.done $0x0  }
0x102: {  	[sflag:s22] =	ssyncadd.s32 $0xFFFFF400  }
.LBB2_7:
0x103: {  	_ =	swait.ge [sflag:s23], $0xC00  }
0x104: {  	[sflag:s23] =	ssyncset.done $0x0  }
0x105: {  	[sflag:s23] =	ssyncadd.s32 $0xFFFFF400  }
.LBB2_8:
0x106: {  	s0 =	simm.s32 $0x1B590  }
0x107: {  	v0 =	vld [tilespmem:s0+$0x0]  }
0x108: {  	v1 =	vld [tilespmem:s0+$0x400]  }
0x109: {  	v2 =	vld [tilespmem:s0+$0xFFFFFC00];
	_ =	sdelay $0x2  }
0x10a: {  	v0 =	vmul.f32 $3.200000000e+01, v0  }
0x10b: {  	v1 =	vmul.f32 $3.200000000e+01, v1  }
0x10c: {  	v2 =	vmul.f32 $3.200000000e+01, v2;
	v3 =	vmin.f32 v0, $3.100000000e+01  }
0x10d: {  	v4 =	vmin.f32 v1, $3.100000000e+01;
	v3 =	vtrunc.f32 v3  }
0x10e: {  	v5 =	vmin.f32 v2, $3.100000000e+01;
	v4 =	vtrunc.f32 v4;
	v3 =	vcvt.f32.s32 v3  }
0x10f: {  	v5 =	vtrunc.f32 v5;
	v4 =	vcvt.f32.s32 v4  }
0x110: {  	v7 =	vld [tilespmem:s0+$0xFFFFFFF0];
	v5 =	vcvt.f32.s32 v5;
	v6 =	vmul.u32 $0x21, v3  }
0x111: {  	v9 =	vld [tilespmem:s0+$0x3F0];
	v8 =	vmul.u32 $0x441, v4  }
0x112: {  	v6 =	vadd.s32 v5, v6  }
0x113: {  	v6 =	vadd.s32 v8, v6;
	_ =	sdelay $0x1  }
0x114: {  	v7 =	vmul.f32 $3.200000000e+01, v7  }
0x115: {  	v9 =	vmul.f32 $3.200000000e+01, v9;
	v10 =	vadd.s32 $0x1, v6  }
0x116: {  	v12 =	vmin.f32 v7, $3.100000000e+01;
	v8 =	vld [tilespmem:s0+$0xFFFFFBF0];
	v11 =	vadd.s32 $0x21, v6  }
0x117: {  	v19 =	vmin.f32 v9, $3.100000000e+01;
	v12 =	vtrunc.f32 v12;
	v14 =	vadd.s32 $0x22, v6;
	v13 =	vld.idx.msk [tilespmem:v6+s14+$0x0], $0xffff  }
0x118: {  	v3 =	vcvt.s32.f32 v3;
	v4 =	vcvt.s32.f32 v4;
	v16 =	vadd.s32 $0x463, v6;
	v17 =	vld.idx.msk [tilespmem:v6+s5+$0x0], $0xffff  }
0x119: {  	v19 =	vtrunc.f32 v19;
	v5 =	vcvt.s32.f32 v5;
	v18 =	vadd.s32 $0x441, v6;
	v21 =	vld.idx.msk [tilespmem:v6+s13+$0x0], $0xffff  }
0x11a: {  	v0 =	vsub.f32 v0, v3;
	v4 =	vsub.f32 v1, v4;
	v22 =	vadd.s32 $0x442, v6;
	v15 =	vld.idx.msk [tilespmem:v10+s14+$0x0], $0xffff  }
0x11b: {  	v12 =	vcvt.f32.s32 v12;
	v19 =	vcvt.f32.s32 v19;
	v2 =	vsub.f32 v2, v5;
	v20 =	vld.idx.msk [tilespmem:v11+s14+$0x0], $0xffff  }
0x11c: {  	v23 =	vsub.f32 $1.000000000e+00, v0;
	v24 =	vsub.f32 $1.000000000e+00, v4;
	v5 =	vld.idx.msk [tilespmem:v14+s14+$0x0], $0xffff  }
0x11d: {  	v25 =	vmul.u32 $0x21, v12;
	v12 =	vcvt.s32.f32 v12;
	v30 =	vcvt.s32.f32 v19;
	v1 =	vld.idx.msk [tilespmem:v16+s5+$0x0], $0xffff  }
0x11e: {  	v28 =	vmul.f32 v24, v23;
	v29 =	vsub.f32 $1.000000000e+00, v2;
	v8 =	vmul.f32 $3.200000000e+01, v8;
	v26 =	vld.idx.msk [tilespmem:v18+s14+$0x0], $0xffff  }
0x11f: {  	v24 =	vmul.f32 v24, v0;
	v23 =	vmul.f32 v23, v4;
	v6 =	vadd.s32 $0x462, v6;
	v31 =	vld.idx.msk [tilespmem:v22+s14+$0x0], $0xffff  }
0x120: {  	v0 =	vmul.f32 v4, v0;
	v32 =	vmul.f32 v28, v29;
	v38 =	vld.idx.msk [tilespmem:v18+s5+$0x0], $0xffff;
	v3 =	vmin.f32 v8, $3.100000000e+01  }
0x121: {  	v7 =	vsub.f32 v7, v12;
	v12 =	vmul.f32 v28, v2;
	v18 =	vld.idx.msk [tilespmem:v18+s13+$0x0], $0xffff;
	v3 =	vtrunc.f32 v3  }
0x122: {  	v9 =	vsub.f32 v9, v30;
	v30 =	vmul.f32 v24, v29;
	v27 =	vcvt.f32.s32 v3;
	v3 =	vld.idx.msk [tilespmem:v16+s13+$0x0], $0xffff  }
0x123: {  	v19 =	vmul.u32 $0x441, v19;
	v24 =	vmul.f32 v24, v2;
	v16 =	vld.idx.msk [tilespmem:v16+s14+$0x0], $0xffff;
	v13 =	vmul.f32 v32, v13  }
0x124: {  	v34 =	vsub.f32 $1.000000000e+00, v7;
	v28 =	vld.idx.msk [tilespmem:v6+s14+$0x0], $0xffff;
	v17 =	vmul.f32 v32, v17;
	v21 =	vmul.f32 v32, v21  }
0x125: {  	v33 =	vld.idx.msk [tilespmem:v6+s5+$0x0], $0xffff;
	v25 =	vadd.s32 v27, v25;
	v27 =	vcvt.s32.f32 v27;
	v15 =	vmul.f32 v12, v15  }
0x126: {  	v35 =	vld.idx.msk [tilespmem:v6+s13+$0x0], $0xffff;
	v6 =	vsub.f32 $1.000000000e+00, v9;
	v20 =	vmul.f32 v20, v30;
	v5 =	vmul.f32 v5, v24  }
0x127: {  	v19 =	vadd.s32 v19, v25;
	v25 =	vmul.f32 v23, v29;
	v8 =	vsub.f32 v8, v27;
	v27 =	vld.idx.msk [tilespmem:v22+s5+$0x0], $0xffff  }
0x128: {  	v36 =	vmul.f32 v6, v34;
	v29 =	vmul.f32 v0, v29;
	v22 =	vld.idx.msk [tilespmem:v22+s13+$0x0], $0xffff  }
0x129: {  	v13 =	vadd.f32 v15, v13;
	v15 =	vmul.f32 v23, v2;
	v4 =	vmul.f32 v26, v25;
	v26 =	vld.idx.msk [tilespmem:v14+s5+$0x0], $0xffff  }
0x12a: {  	v6 =	vmul.f32 v6, v7;
	v7 =	vmul.f32 v9, v7;
	v39 =	vadd.s32 $0x1, v19;
	v14 =	vld.idx.msk [tilespmem:v14+s13+$0x0], $0xffff  }
0x12b: {  	v40 =	vadd.s32 $0x21, v19;
	v13 =	vadd.f32 v20, v13;
	v20 =	vmul.f32 v31, v15;
	v31 =	vld.idx.msk [tilespmem:v11+s5+$0x0], $0xffff  }
0x12c: {  	v38 =	vmul.f32 v38, v25;
	v18 =	vmul.f32 v18, v25;
	v37 =	vsub.f32 $1.000000000e+00, v8;
	v11 =	vld.idx.msk [tilespmem:v11+s13+$0x0], $0xffff  }
0x12d: {  	v28 =	vmul.f32 v28, v29;
	v5 =	vadd.f32 v5, v13;
	v13 =	vmul.f32 v0, v2;
	v0 =	vld.idx.msk [tilespmem:v10+s5+$0x0], $0xffff  }
0x12e: {  	v41 =	vadd.s32 $0x22, v19;
	v51 =	vmul.f32 v6, v8;
	v23 =	vmul.f32 v36, v37;
	v10 =	vld.idx.msk [tilespmem:v10+s13+$0x0], $0xffff  }
0x12f: {  	v43 =	vadd.s32 $0x441, v19;
	v36 =	vmul.f32 v36, v8;
	v42 =	vmul.f32 v6, v37;
	v25 =	vld.idx.msk [tilespmem:v19+s5+$0x0], $0xffff  }
0x130: {  	v2 =	vadd.f32 v4, v5;
	v4 =	vmul.f32 v16, v13;
	v5 =	vmul.f32 v34, v9;
	v16 =	vld.idx.msk [tilespmem:v39+s5+$0x0], $0xffff  }
0x131: {  	v52 =	vadd.s32 $0x442, v19;
	v9 =	vmul.f32 v27, v15;
	v27 =	vld.idx.msk [tilespmem:v39+s13+$0x0], $0xffff;
	v26 =	vmul.f32 v26, v24  }
0x132: {  	v39 =	vld.idx.msk [tilespmem:v39+s14+$0x0], $0xffff;
	v15 =	vmul.f32 v22, v15;
	v11 =	vmul.f32 v11, v30;
	v6 =	vadd.f32 v20, v2  }
0x133: {  	v44 =	vadd.s32 $0x462, v19;
	v22 =	vld.idx.msk [tilespmem:v19+s13+$0x0], $0xffff;
	v20 =	vmul.f32 v5, v37;
	v0 =	vmul.f32 v12, v0  }
0x134: {  	v2 =	vmul.f32 v5, v8;
	v10 =	vmul.f32 v12, v10;
	v12 =	vld.idx.msk [tilespmem:v40+s5+$0x0], $0xffff;
	v6 =	vadd.f32 v28, v6  }
0x135: {  	v5 =	vmul.f32 v7, v37;
	v28 =	vadd.s32 $0x463, v19;
	v19 =	vld.idx.msk [tilespmem:v19+s14+$0x0], $0xffff;
	v0 =	vadd.f32 v0, v17  }
0x136: {  	v17 =	vld.idx.msk [tilespmem:v40+s13+$0x0], $0xffff;
	v6 =	vadd.f32 v4, v6;
	v4 =	vmul.f32 v14, v24;
	v14 =	vmul.f32 v30, v31  }
0x137: {  	v16 =	vmul.f32 v36, v16;
	v10 =	vadd.f32 v10, v21;
	v21 =	vld.idx.msk [tilespmem:v40+s14+$0x0], $0xffff;
	v27 =	vmul.f32 v36, v27  }
0x138: {  	v22 =	vmul.f32 v23, v22;
	v24 =	vmul.f32 v33, v29;
	v30 =	vld.idx.msk [tilespmem:v41+s5+$0x0], $0xffff;
	v14 =	vadd.f32 v0, v14  }
0x139: {  	v0 =	vmul.f32 v7, v8;
	v7 =	vmul.f32 v23, v25;
	v8 =	vadd.f32 v10, v11;
	v10 =	vld.idx.msk [tilespmem:v41+s13+$0x0], $0xffff  }
0x13a: {  	v29 =	vmul.f32 v35, v29;
	v11 =	vmul.f32 v36, v39;
	v25 =	vld.idx.msk [tilespmem:v41+s14+$0x0], $0xffff  }
0x13b: {  	v19 =	vmul.f32 v23, v19;
	v23 =	vld.idx.msk [tilespmem:v52+s13+$0x0], $0xffff;
	v14 =	vadd.f32 v26, v14;
	v7 =	vadd.f32 v16, v7  }
0x13c: {  	v12 =	vmul.f32 v42, v12;
	v4 =	vadd.f32 v4, v8;
	v16 =	vld.idx.msk [tilespmem:v43+s5+$0x0], $0xffff;
	v8 =	vadd.f32 v27, v22  }
0x13d: {  	v22 =	vld.idx.msk [tilespmem:v43+s13+$0x0], $0xffff;
	v17 =	vmul.f32 v17, v42;
	v11 =	vadd.f32 v11, v19;
	v14 =	vadd.f32 v38, v14  }
0x13e: {  	s2 =	simm.s32 $0x1B5B0;
	v4 =	vadd.f32 v18, v4;
	v18 =	vld.idx.msk [tilespmem:v43+s14+$0x0], $0xffff;
	v7 =	vadd.f32 v7, v12;
	v12 =	vmul.f32 v21, v42  }
0x13f: {  	v19 =	vmul.f32 v30, v51;
	v17 =	vadd.f32 v8, v17;
	v21 =	vld [tilespmem:s2+$0x0];
	v9 =	vadd.f32 v9, v14  }
0x140: {  	v10 =	vmul.f32 v10, v51;
	v14 =	vld.idx.msk [tilespmem:v52+s5+$0x0], $0xffff;
	v4 =	vadd.f32 v15, v4;
	v12 =	vadd.f32 v12, v11  }
0x141: {  	v7 =	vadd.f32 v19, v7;
	v15 =	vmul.f32 v25, v51;
	v8 =	vadd.f32 v24, v9;
	v9 =	vld [tilespmem:s2+$0x400]  }
0x142: {  	v10 =	vadd.f32 v10, v17;
	v16 =	vmul.f32 v16, v20;
	v11 =	vadd.f32 v29, v4;
	v4 =	vld [tilespmem:s2+$0xFFFFFC00]  }
0x143: {  	v25 =	vld.idx.msk [tilespmem:v52+s14+$0x0], $0xffff;
	v17 =	vmul.f32 v22, v20;
	v19 =	vadd.f32 v15, v12;
	v15 =	vmul.f32 v1, v13  }
0x144: {  	v12 =	vmul.f32 v3, v13;
	v1 =	vmul.f32 v18, v20  }
0x145: {  	v7 =	vadd.f32 v16, v7;
	v3 =	vmul.f32 $3.200000000e+01, v21;
	v20 =	vmul.f32 v23, v2  }
0x146: {  	v10 =	vadd.f32 v17, v10;
	v18 =	vld [tilespmem:s2+$0xFFFFFBF0];
	v14 =	vmul.f32 v14, v2;
	v9 =	vmul.f32 $3.200000000e+01, v9  }
0x147: {  	v17 =	vld [tilespmem:s2+$0x3F0];
	v19 =	vadd.f32 v1, v19;
	v1 =	vmin.f32 v3, $3.100000000e+01;
	v4 =	vmul.f32 $3.200000000e+01, v4  }
0x148: {  	v13 =	vld [tilespmem:s2+$0xFFFFFFF0];
	v25 =	vmul.f32 v25, v2;
	v1 =	vtrunc.f32 v1;
	v16 =	vmin.f32 v9, $3.100000000e+01  }
0x149: {  	v1 =	vcvt.f32.s32 v1;
	v21 =	vmin.f32 v4, $3.100000000e+01;
	v22 =	vtrunc.f32 v16  }
0x14a: {  	v16 =	vadd.f32 v14, v7;
	v7 =	vtrunc.f32 v21;
	v14 =	vcvt.f32.s32 v22  }
0x14b: {  	v26 =	vmul.f32 $3.200000000e+01, v18;
	v7 =	vcvt.f32.s32 v7;
	v22 =	vmul.u32 $0x21, v1  }
0x14c: {  	v21 =	vadd.f32 v20, v10;
	v10 =	vmul.f32 $3.200000000e+01, v17;
	v17 =	vmul.u32 $0x441, v14  }
0x14d: {  	v23 =	vld.idx.msk [tilespmem:v44+s13+$0x0], $0xffff;
	v13 =	vmul.f32 $3.200000000e+01, v13;
	v18 =	vadd.s32 v7, v22  }
0x14e: {  	v25 =	vadd.f32 v25, v19;
	v20 =	vld.idx.msk [tilespmem:v44+s5+$0x0], $0xffff;
	v31 =	vmin.f32 v26, $3.100000000e+01;
	v29 =	vadd.s32 v17, v18  }
0x14f: {  	v24 =	vmin.f32 v13, $3.100000000e+01;
	v53 =	vcvt.s32.f32 v1;
	v31 =	vtrunc.f32 v31;
	v1 =	vld.idx.msk [tilespmem:v28+s14+$0x0], $0xffff  }
0x150: {  	v27 =	vmin.f32 v10, $3.100000000e+01;
	v31 =	vcvt.f32.s32 v31;
	v22 =	vtrunc.f32 v24;
	v24 =	vld.idx.msk [tilespmem:v44+s14+$0x0], $0xffff  }
0x151: {  	v27 =	vtrunc.f32 v27;
	v7 =	vcvt.s32.f32 v7;
	v17 =	vld.idx.msk [tilespmem:v28+s5+$0x0], $0xffff;
	v30 =	vadd.s32 $0x1, v29  }
0x152: {  	v14 =	vcvt.s32.f32 v14;
	v22 =	vcvt.f32.s32 v22;
	v18 =	vld.idx.msk [tilespmem:v28+s13+$0x0], $0xffff;
	v33 =	vadd.s32 $0x21, v29  }
0x153: {  	v27 =	vcvt.f32.s32 v27;
	v7 =	vsub.f32 v4, v7;
	v32 =	vadd.s32 $0x22, v29;
	v4 =	vld.idx.msk [tilespmem:v29+s14+$0x0], $0xffff  }
0x154: {  	v28 =	vsub.f32 v3, v53;
	v9 =	vsub.f32 v9, v14;
	v56 =	vadd.s32 $0x463, v29;
	v37 =	vld.idx.msk [tilespmem:v29+s5+$0x0], $0xffff  }
0x155: {  	v20 =	vmul.f32 v20, v5;
	v14 =	vmul.u32 $0x21, v22;
	v38 =	vadd.s32 $0x441, v29;
	v59 =	vld.idx.msk [tilespmem:v29+s13+$0x0], $0xffff  }
0x156: {  	v22 =	vcvt.s32.f32 v22;
	v61 =	vcvt.s32.f32 v27;
	v45 =	vadd.s32 $0x442, v29;
	v55 =	vld.idx.msk [tilespmem:v30+s14+$0x0], $0xffff  }
0x157: {  	v27 =	vmul.u32 $0x441, v27;
	v54 =	vsub.f32 $1.000000000e+00, v28;
	v3 =	vsub.f32 $1.000000000e+00, v9;
	v57 =	vld.idx.msk [tilespmem:v33+s14+$0x0], $0xffff  }
0x158: {  	v63 =	vsub.f32 $1.000000000e+00, v7;
	v14 =	vadd.s32 v31, v14;
	v31 =	vcvt.s32.f32 v31;
	v46 =	vld.idx.msk [tilespmem:v32+s14+$0x0], $0xffff  }
0x159: {  	v13 =	vsub.f32 v13, v22;
	v62 =	vmul.f32 v3, v54;
	v58 =	vmul.f32 v3, v28;
	v3 =	vld.idx.msk [tilespmem:v56+s5+$0x0], $0xffff  }
0x15a: {  	v10 =	vsub.f32 v10, v61;
	v34 =	vmul.f32 v54, v9;
	v9 =	vmul.f32 v9, v28;
	v48 =	vld.idx.msk [tilespmem:v38+s14+$0x0], $0xffff  }
0x15b: {  	v29 =	vadd.s32 $0x462, v29;
	v22 =	vmul.f32 v62, v63;
	v40 =	vmul.f32 v62, v7;
	v60 =	vld.idx.msk [tilespmem:v45+s14+$0x0], $0xffff  }
0x15c: {  	v26 =	vsub.f32 v26, v31;
	v39 =	vmul.f32 v58, v63;
	v43 =	vmul.f32 v58, v7;
	v31 =	vld.idx.msk [tilespmem:v56+s14+$0x0], $0xffff  }
0x15d: {  	v49 =	vsub.f32 $1.000000000e+00, v13;
	v36 =	vmul.f32 v34, v63;
	v34 =	vmul.f32 v34, v7;
	v54 =	vld.idx.msk [tilespmem:v45+s5+$0x0], $0xffff  }
0x15e: {  	v50 =	vsub.f32 $1.000000000e+00, v10;
	v45 =	vld.idx.msk [tilespmem:v45+s13+$0x0], $0xffff;
	v47 =	vmul.f32 v22, v4;
	v35 =	vmul.f32 v40, v55  }
0x15f: {  	v27 =	vadd.s32 v27, v14;
	v41 =	vmul.f32 v9, v63;
	v63 =	vld.idx.msk [tilespmem:v38+s5+$0x0], $0xffff;
	v9 =	vmul.f32 v9, v7  }
0x160: {  	v14 =	vmul.f32 v50, v49;
	v61 =	vld.idx.msk [tilespmem:v29+s14+$0x0], $0xffff;
	v42 =	vmul.f32 v57, v39;
	v35 =	vadd.f32 v35, v47  }
0x161: {  	v20 =	vadd.f32 v20, v16;
	v37 =	vmul.f32 v22, v37;
	v44 =	vmul.f32 v22, v59;
	v22 =	vld.idx.msk [tilespmem:v32+s5+$0x0], $0xffff  }
0x162: {  	v62 =	vmul.f32 v50, v13;
	v32 =	vld.idx.msk [tilespmem:v32+s13+$0x0], $0xffff;
	v46 =	vmul.f32 v46, v43;
	v35 =	vadd.f32 v42, v35  }
0x163: {  	v38 =	vld.idx.msk [tilespmem:v38+s13+$0x0], $0xffff;
	v51 =	vsub.f32 $1.000000000e+00, v26;
	v53 =	vmul.f32 v14, v26;
	v48 =	vmul.f32 v48, v36  }
0x164: {  	v16 =	vld.idx.msk [tilespmem:v27+s14+$0x0], $0xffff;
	v31 =	vmul.f32 v31, v9;
	v54 =	vmul.f32 v54, v34;
	v35 =	vadd.f32 v46, v35  }
0x165: {  	v4 =	vld.idx.msk [tilespmem:v56+s13+$0x0], $0xffff;
	v55 =	vadd.s32 $0x21, v27;
	v42 =	vmul.f32 v61, v41;
	v61 =	vmul.f32 v10, v13  }
0x166: {  	v28 =	vld.idx.msk [tilespmem:v29+s5+$0x0], $0xffff;
	v46 =	vmul.f32 v14, v51;
	v14 =	vmul.f32 v60, v34;
	v35 =	vadd.f32 v48, v35  }
0x167: {  	v52 =	vadd.s32 $0x1, v27;
	v29 =	vld.idx.msk [tilespmem:v29+s13+$0x0], $0xffff;
	v32 =	vmul.f32 v32, v43;
	v60 =	vmul.f32 v49, v10  }
0x168: {  	s30 =	simm.s32 $0x1CD90;
	v57 =	vld.idx.msk [tilespmem:v30+s5+$0x0], $0xffff;
	v34 =	vmul.f32 v45, v34;
	v19 =	vmul.f32 v61, v51;
	v7 =	vadd.f32 v14, v35  }
0x169: {  	[tilespmem:s30+$0x400] =	vst v6;
	v6 =	vadd.s32 $0x463, v27;
	v30 =	vld.idx.msk [tilespmem:v30+s13+$0x0], $0xffff;
	v13 =	vmul.f32 v60, v51;
	v48 =	vmul.f32 v63, v36  }
0x16a: {  	v58 =	vld.idx.msk [tilespmem:v55+s14+$0x0], $0xffff;
	v2 =	vmul.f32 v60, v26;
	v36 =	vmul.f32 v38, v36;
	v7 =	vadd.f32 v42, v7  }
0x16b: {  	v50 =	vadd.s32 $0x22, v27;
	v35 =	vmul.f32 v62, v51;
	v14 =	vmul.f32 v62, v26;
	v62 =	vld.idx.msk [tilespmem:v33+s5+$0x0], $0xffff  }
0x16c: {  	v63 =	vmul.f32 v22, v43;
	v22 =	vadd.f32 v15, v8;
	v33 =	vld.idx.msk [tilespmem:v33+s13+$0x0], $0xffff;
	v31 =	vadd.f32 v31, v7  }
0x16d: {  	s31 =	simm.s32 $0x1CDB0;
	v8 =	vld.idx.msk [tilespmem:v52+s14+$0x0], $0xffff;
	v15 =	vadd.f32 v12, v11;
	v11 =	vmul.f32 v23, v5;
	v23 =	vmul.f32 v40, v57  }
0x16e: {  	v56 =	vadd.s32 $0x441, v27;
	v5 =	vmul.f32 v24, v5;
	v24 =	vmul.f32 v40, v30;
	[tilespmem:s31+$0x400] =	vst v31;
	v31 =	vld.idx.msk [tilespmem:v52+s5+$0x0], $0xffff  }
0x16f: {  	v10 =	vadd.s32 $0x442, v27;
	v45 =	vld.idx.msk [tilespmem:v52+s13+$0x0], $0xffff;
	v57 =	vmul.f32 v28, v41;
	v16 =	vmul.f32 v46, v16  }
0x170: {  	v12 =	vld.idx.msk [tilespmem:v27+s5+$0x0], $0xffff;
	v21 =	vadd.f32 v11, v21;
	v30 =	vadd.f32 v23, v37;
	v51 =	vmul.f32 v39, v62  }
0x171: {  	v11 =	vmul.f32 v29, v41;
	v24 =	vadd.f32 v24, v44;
	v33 =	vmul.f32 v33, v39;
	v52 =	vld.idx.msk [tilespmem:v27+s13+$0x0], $0xffff  }
0x172: {  	v28 =	vld.idx.msk [tilespmem:v55+s5+$0x0], $0xffff;
	v23 =	vmul.f32 v61, v26;
	v8 =	vmul.f32 v53, v8;
	v26 =	vadd.f32 v30, v51  }
0x173: {  	v7 =	vadd.s32 $0x462, v27;
	v30 =	vadd.f32 v24, v33;
	v27 =	vmul.f32 v53, v31;
	v31 =	vld.idx.msk [tilespmem:v55+s13+$0x0], $0xffff  }
0x174: {  	v60 =	vld.idx.msk [tilespmem:v50+s13+$0x0], $0xffff;
	v5 =	vadd.f32 v5, v25;
	v29 =	vmul.f32 v53, v45;
	v38 =	vadd.f32 v63, v26  }
0x175: {  	v25 =	vld.idx.msk [tilespmem:v50+s5+$0x0], $0xffff;
	v12 =	vmul.f32 v46, v12;
	v8 =	vadd.f32 v8, v16;
	v30 =	vadd.f32 v32, v30  }
0x176: {  	v16 =	vld.idx.msk [tilespmem:v56+s14+$0x0], $0xffff;
	v24 =	vmul.f32 v17, v0;
	v59 =	vmul.f32 v46, v52;
	v61 =	vadd.f32 v48, v38  }
0x177: {  	v17 =	vmul.f32 v18, v0;
	v62 =	vadd.f32 v36, v30;
	v18 =	vadd.f32 v27, v12;
	v27 =	vld.idx.msk [tilespmem:v50+s14+$0x0], $0xffff  }
0x178: {  	v28 =	vmul.f32 v35, v28;
	v26 =	vld.idx.msk [tilespmem:v56+s5+$0x0], $0xffff;
	v29 =	vadd.f32 v29, v59;
	v31 =	vmul.f32 v31, v35  }
0x179: {  	v12 =	vld.idx.msk [tilespmem:v56+s13+$0x0], $0xffff;
	v63 =	vadd.f32 v54, v61;
	v33 =	vadd.f32 v34, v62;
	v35 =	vmul.f32 v58, v35  }
0x17a: {  	v32 =	vmul.f32 v25, v14;
	v25 =	vld.idx.msk [tilespmem:v10+s13+$0x0], $0xffff;
	v30 =	vadd.f32 v18, v28;
	v28 =	vadd.f32 v29, v31  }
0x17b: {  	s1 =	simm.s32 $0x1B5D0;
	s0 =	simm.s32 $0x1CDB0;
	s2 =	simm.s32 $0x20;
	v18 =	vld.idx.msk [tilespmem:v10+s5+$0x0], $0xffff;
	v29 =	vadd.f32 v35, v8;
	v31 =	vmul.f32 v60, v14;
	v8 =	vadd.f32 v57, v63  }
.LBB2_9:
0x17c: {  	v34 =	vld [tilespmem:s1+$0x0];
	s2 =	sadd.s32 $0x20, s2;
	v30 =	vadd.f32 v32, v30;
	v14 =	vmul.f32 v27, v14;
	v11 =	vadd.f32 v11, v33;
	[tilespmem:s30+$0xFFFFFC00] =	vst v22  }
0x17d: {  	v26 =	vmul.f32 v26, v13;
	v22 =	vmul.f32 v1, v0;
	v27 =	vld [tilespmem:s1+$0x400];
	p0 =	slt.u32 s2, $0x3E0;
	v28 =	vadd.f32 v31, v28;
	[tilespmem:s30+$0x0] =	vst v15  }
0x17e: {  	v15 =	vmul.f32 v3, v9;
	v1 =	vld [tilespmem:s1+$0xFFFFFC00];
	v14 =	vadd.f32 v14, v29;
	v29 =	vmul.f32 v12, v13;
	v12 =	vmovc v19  }
0x17f: {  	v0 =	vmovc v23;
	v26 =	vadd.f32 v26, v30;
	v13 =	vmul.f32 v16, v13;
	v16 =	vmul.f32 v4, v9;
	v3 =	vld [tilespmem:s1+$0xFFFFFFF0]  }
0x180: {  	v23 =	vadd.f32 v24, v20;
	v18 =	vmul.f32 v18, v2;
	v4 =	vld [tilespmem:s1+$0x3F0];
	v9 =	vadd.f32 v29, v28  }
0x181: {  	v19 =	vadd.f32 v13, v14;
	v14 =	vmul.f32 v25, v2;
	v28 =	vld [tilespmem:s1+$0xFFFFFBF0];
	v29 =	vmul.f32 $3.200000000e+01, v34  }
0x182: {  	v20 =	vadd.f32 v18, v26;
	v27 =	vmul.f32 $3.200000000e+01, v27;
	v13 =	vld.idx.msk [tilespmem:v10+s14+$0x0], $0xffff;
	v10 =	vadd.f32 v17, v21;
	[tilespmem:s30+$0xFFFFFBF0] =	vst v23  }
0x183: {  	v21 =	vadd.f32 v14, v9;
	v30 =	vmul.f32 $3.200000000e+01, v1;
	v1 =	vmin.f32 v29, $3.100000000e+01;
	v24 =	vld.idx.msk [tilespmem:v7+s5+$0x0], $0xffff  }
0x184: {  	v3 =	vmul.f32 $3.200000000e+01, v3;
	v1 =	vtrunc.f32 v1;
	v9 =	vmin.f32 v27, $3.100000000e+01;
	v25 =	vld.idx.msk [tilespmem:v7+s13+$0x0], $0xffff;
	[tilespmem:s30+$0xFFFFFFF0] =	vst v10  }
0x185: {  	v10 =	vmin.f32 v30, $3.100000000e+01;
	v14 =	vcvt.f32.s32 v1;
	v1 =	vtrunc.f32 v9;
	v23 =	vld.idx.msk [tilespmem:v7+s14+$0x0], $0xffff  }
0x186: {  	v7 =	vmin.f32 v3, $3.100000000e+01;
	v9 =	vtrunc.f32 v10;
	v10 =	vcvt.f32.s32 v1;
	v17 =	vld.idx.msk [tilespmem:v6+s5+$0x0], $0xffff  }
0x187: {  	v4 =	vmul.f32 $3.200000000e+01, v4;
	v9 =	vcvt.f32.s32 v9;
	v26 =	vmul.u32 $0x21, v14;
	v18 =	vld.idx.msk [tilespmem:v6+s13+$0x0], $0xffff  }
0x188: {  	v28 =	vmul.f32 $3.200000000e+01, v28;
	v7 =	vtrunc.f32 v7;
	v31 =	vmul.u32 $0x441, v10;
	v1 =	vld.idx.msk [tilespmem:v6+s14+$0x0], $0xffff  }
0x189: {  	v6 =	vcvt.f32.s32 v7;
	v7 =	vmin.f32 v4, $3.100000000e+01;
	v26 =	vadd.s32 v9, v26  }
0x18a: {  	v32 =	vmin.f32 v28, $3.100000000e+01;
	v7 =	vtrunc.f32 v7;
	v31 =	vadd.s32 v31, v26  }
0x18b: {  	v32 =	vtrunc.f32 v32;
	v7 =	vcvt.f32.s32 v7;
	v26 =	vadd.s32 $0x1, v31  }
0x18c: {  	v14 =	vcvt.s32.f32 v14;
	v10 =	vcvt.s32.f32 v10;
	v33 =	vmul.u32 $0x21, v6  }
0x18d: {  	v9 =	vcvt.s32.f32 v9;
	v32 =	vcvt.f32.s32 v32;
	v34 =	vadd.s32 $0x21, v31  }
0x18e: {  	v14 =	vsub.f32 v29, v14;
	v6 =	vcvt.s32.f32 v6;
	v10 =	vsub.f32 v27, v10  }
0x18f: {  	v9 =	vsub.f32 v30, v9;
	v30 =	vadd.s32 $0x22, v31;
	v27 =	vcvt.s32.f32 v7;
	v29 =	vld.idx.msk [tilespmem:v31+s14+$0x0], $0xffff  }
0x190: {  	v35 =	vsub.f32 $1.000000000e+00, v14;
	v38 =	vadd.s32 $0x463, v31;
	v36 =	vsub.f32 $1.000000000e+00, v10;
	v37 =	vld.idx.msk [tilespmem:v26+s14+$0x0], $0xffff  }
0x191: {  	v40 =	vadd.s32 $0x441, v31;
	v7 =	vmul.u32 $0x441, v7;
	v33 =	vadd.s32 v32, v33;
	v39 =	vld.idx.msk [tilespmem:v31+s5+$0x0], $0xffff  }
0x192: {  	v6 =	vsub.f32 v3, v6;
	v41 =	vsub.f32 $1.000000000e+00, v9;
	v3 =	vmul.f32 v36, v35;
	v42 =	vld.idx.msk [tilespmem:v34+s14+$0x0], $0xffff  }
0x193: {  	v44 =	vadd.s32 $0x442, v31;
	v27 =	vsub.f32 v4, v27;
	v36 =	vmul.f32 v36, v14;
	v43 =	vld.idx.msk [tilespmem:v31+s13+$0x0], $0xffff  }
0x194: {  	v33 =	vadd.s32 v7, v33;
	v45 =	vmul.f32 v3, v41;
	v46 =	vmul.f32 v3, v9;
	v7 =	vld.idx.msk [tilespmem:v30+s14+$0x0], $0xffff  }
0x195: {  	v32 =	vcvt.s32.f32 v32;
	v47 =	vmul.f32 v36, v41;
	v31 =	vadd.s32 $0x462, v31;
	v3 =	vld.idx.msk [tilespmem:v38+s5+$0x0], $0xffff  }
0x196: {  	v48 =	vadd.s32 $0x1, v33;
	v29 =	vmul.f32 v45, v29;
	v37 =	vmul.f32 v46, v37;
	v49 =	vld.idx.msk [tilespmem:v40+s14+$0x0], $0xffff  }
0x197: {  	v50 =	vsub.f32 $1.000000000e+00, v6;
	v35 =	vmul.f32 v35, v10;
	v51 =	vsub.f32 $1.000000000e+00, v27;
	v4 =	vld.idx.msk [tilespmem:v38+s13+$0x0], $0xffff  }
0x198: {  	v36 =	vmul.f32 v36, v9;
	v29 =	vadd.f32 v37, v29;
	v37 =	vmul.f32 v42, v47;
	v42 =	vld.idx.msk [tilespmem:v44+s14+$0x0], $0xffff  }
0x199: {  	v28 =	vsub.f32 v28, v32;
	v52 =	vadd.s32 $0x21, v33;
	v32 =	vmul.f32 v51, v50;
	v38 =	vld.idx.msk [tilespmem:v38+s14+$0x0], $0xffff  }
0x19a: {  	v29 =	vadd.f32 v37, v29;
	v7 =	vmul.f32 v7, v36;
	v37 =	vmul.f32 v35, v41;
	v53 =	vld.idx.msk [tilespmem:v31+s14+$0x0], $0xffff  }
0x19b: {  	v14 =	vmul.f32 v10, v14;
	v55 =	vadd.s32 $0x22, v33;
	v54 =	vsub.f32 $1.000000000e+00, v28;
	v56 =	vld.idx.msk [tilespmem:v31+s5+$0x0], $0xffff  }
0x19c: {  	v7 =	vadd.f32 v7, v29;
	v10 =	vmul.f32 v49, v37;
	v29 =	vmul.f32 v35, v9;
	v31 =	vld.idx.msk [tilespmem:v31+s13+$0x0], $0xffff  }
0x19d: {  	v35 =	vmul.f32 v32, v54;
	v32 =	vmul.f32 v32, v28;
	v49 =	vadd.s32 $0x441, v33;
	v57 =	vld.idx.msk [tilespmem:v44+s5+$0x0], $0xffff  }
0x19e: {  	v41 =	vmul.f32 v14, v41;
	v7 =	vadd.f32 v10, v7;
	v42 =	vmul.f32 v42, v29;
	v44 =	vld.idx.msk [tilespmem:v44+s13+$0x0], $0xffff  }
0x19f: {  	v51 =	vmul.f32 v51, v6;
	v39 =	vmul.f32 v45, v39;
	v10 =	vadd.s32 $0x442, v33;
	v58 =	vld.idx.msk [tilespmem:v40+s5+$0x0], $0xffff  }
0x1a0: {  	v9 =	vmul.f32 v14, v9;
	v42 =	vadd.f32 v42, v7;
	v53 =	vmul.f32 v53, v41;
	v40 =	vld.idx.msk [tilespmem:v40+s13+$0x0], $0xffff  }
0x1a1: {  	v59 =	vmul.f32 v51, v54;
	v43 =	vmul.f32 v45, v43;
	v7 =	vadd.s32 $0x462, v33;
	v45 =	vld.idx.msk [tilespmem:v30+s5+$0x0], $0xffff  }
0x1a2: {  	v14 =	vmul.f32 v51, v28;
	v38 =	vmul.f32 v38, v9;
	v42 =	vadd.f32 v53, v42;
	v30 =	vld.idx.msk [tilespmem:v30+s13+$0x0], $0xffff  }
0x1a3: {  	v50 =	vmul.f32 v50, v27;
	v27 =	vmul.f32 v27, v6;
	v6 =	vadd.s32 $0x463, v33;
	v51 =	vld.idx.msk [tilespmem:v34+s5+$0x0], $0xffff  }
0x1a4: {  	v53 =	vmul.f32 v57, v29;
	v38 =	vadd.f32 v38, v42;
	v42 =	vmul.f32 v13, v2;
	v34 =	vld.idx.msk [tilespmem:v34+s13+$0x0], $0xffff  }
0x1a5: {  	s31 =	sadd.s32 $0x20, s31;
	v5 =	vadd.f32 v22, v5;
	v13 =	vmul.f32 v50, v54;
	v58 =	vmul.f32 v58, v37;
	v57 =	vld.idx.msk [tilespmem:v26+s5+$0x0], $0xffff  }
0x1a6: {  	v2 =	vmul.f32 v50, v28;
	v37 =	vmul.f32 v40, v37;
	v26 =	vld.idx.msk [tilespmem:v26+s13+$0x0], $0xffff;
	[tilespmem:s31+$0x400] =	vst v38  }
0x1a7: {  	v29 =	vmul.f32 v44, v29;
	v42 =	vadd.f32 v42, v19;
	v40 =	vmul.f32 v45, v36;
	v38 =	vld.idx.msk [tilespmem:v48+s5+$0x0], $0xffff  }
0x1a8: {  	v22 =	vadd.f32 v15, v8;
	v19 =	vmul.f32 v27, v54;
	v30 =	vmul.f32 v30, v36;
	v44 =	vld.idx.msk [tilespmem:v48+s13+$0x0], $0xffff  }
0x1a9: {  	v15 =	vadd.f32 v16, v11;
	v24 =	vmul.f32 v24, v12;
	v36 =	vmul.f32 v47, v51;
	v8 =	vld.idx.msk [tilespmem:v48+s14+$0x0], $0xffff  }
0x1aa: {  	v11 =	vmul.f32 v25, v12;
	v34 =	vmul.f32 v34, v47;
	v16 =	vld.idx.msk [tilespmem:v33+s5+$0x0], $0xffff;
	[tilespmem:s30+$0x3F0] =	vst v5;
	s30 =	smov.u32 s0;
	s0 =	smov.u32 s31  }
0x1ab: {  	v20 =	vadd.f32 v24, v20;
	v12 =	vmul.f32 v23, v12;
	v5 =	vmul.f32 v46, v57;
	v25 =	vld.idx.msk [tilespmem:v33+s13+$0x0], $0xffff  }
0x1ac: {  	v21 =	vadd.f32 v11, v21;
	v45 =	vmul.f32 v56, v41;
	v24 =	vmul.f32 v46, v26;
	v33 =	vld.idx.msk [tilespmem:v33+s14+$0x0], $0xffff  }
0x1ad: {  	v11 =	vmul.f32 v31, v41;
	v26 =	vmul.f32 v32, v38;
	v5 =	vadd.f32 v5, v39;
	v38 =	vld.idx.msk [tilespmem:v52+s5+$0x0], $0xffff  }
0x1ae: {  	v23 =	vmul.f32 v27, v28;
	v31 =	vmul.f32 v32, v44;
	v24 =	vadd.f32 v24, v43;
	v39 =	vld.idx.msk [tilespmem:v52+s13+$0x0], $0xffff  }
0x1af: {  	v8 =	vmul.f32 v32, v8;
	v27 =	vadd.f32 v5, v36;
	v5 =	vadd.f32 v12, v42;
	v28 =	vld.idx.msk [tilespmem:v52+s14+$0x0], $0xffff  }
0x1b0: {  	v12 =	vmul.f32 v35, v16;
	v16 =	vadd.f32 v24, v34;
	v24 =	vmul.f32 v17, v0;
	v32 =	vld.idx.msk [tilespmem:v55+s5+$0x0], $0xffff  }
0x1b1: {  	v17 =	vmul.f32 v18, v0;
	v25 =	vmul.f32 v35, v25;
	v36 =	vadd.f32 v40, v27;
	v34 =	vld.idx.msk [tilespmem:v55+s13+$0x0], $0xffff  }
0x1b2: {  	v18 =	vmul.f32 v35, v33;
	v33 =	vadd.f32 v26, v12;
	v16 =	vadd.f32 v30, v16;
	v27 =	vld.idx.msk [tilespmem:v55+s14+$0x0], $0xffff  }
.Ltmp6:
0x1b3: {  	v25 =	vadd.f32 v31, v25;
	v30 =	vmul.f32 v59, v38;
	v31 =	vadd.f32 v58, v36;
	v26 =	vld.idx.msk [tilespmem:v49+s5+$0x0], $0xffff;
	(pc) =	sbr.rel @p0 .LBB2_9-.Ltmp6, $4  }
0x1b4: {  	v8 =	vadd.f32 v8, v18;
	v18 =	vmul.f32 v39, v59;
	v35 =	vadd.f32 v37, v16;
	v12 =	vld.idx.msk [tilespmem:v49+s13+$0x0], $0xffff  }
0x1b5: {  	v30 =	vadd.f32 v33, v30;
	v36 =	vmul.f32 v28, v59;
	v37 =	vadd.f32 v53, v31;
	v16 =	vld.idx.msk [tilespmem:v49+s14+$0x0], $0xffff  }
0x1b6: {  	v28 =	vadd.f32 v25, v18;
	v32 =	vmul.f32 v32, v14;
	v33 =	vadd.f32 v29, v35;
	v18 =	vld.idx.msk [tilespmem:v10+s5+$0x0], $0xffff  }
0x1b7: {  	s1 =	sadd.s32 $0x20, s1;
	v29 =	vadd.f32 v36, v8;
	v31 =	vmul.f32 v34, v14;
	v8 =	vadd.f32 v45, v37;
	v25 =	vld.idx.msk [tilespmem:v10+s13+$0x0], $0xffff  }
0x1b8: {  	_ =	sdelay $0x3  }
0x1b9: {  	v30 =	vadd.f32 v32, v30;
	v14 =	vmul.f32 v27, v14;
	v11 =	vadd.f32 v11, v33;
	v10 =	vld.idx.msk [tilespmem:v10+s14+$0x0], $0xffff  }
0x1ba: {  	[tilespmem:s30+$0xFFFFFC00] =	vst v22;
	v26 =	vmul.f32 v26, v13;
	v44 =	vld.idx.msk [tilespmem:v7+s5+$0x0], $0xffff;
	v0 =	vmul.f32 v1, v0  }
0x1bb: {  	v46 =	vld.idx.msk [tilespmem:v7+s13+$0x0], $0xffff;
	v3 =	vmul.f32 v3, v9;
	v4 =	vmul.f32 v4, v9;
	v52 =	vadd.f32 v24, v20  }
0x1bc: {  	v48 =	vld.idx.msk [tilespmem:v7+s14+$0x0], $0xffff;
	v17 =	vadd.f32 v17, v21;
	v43 =	vadd.f32 v31, v28;
	v12 =	vmul.f32 v12, v13  }
0x1bd: {  	v51 =	vld.idx.msk [tilespmem:v6+s5+$0x0], $0xffff;
	v45 =	vadd.f32 v14, v29;
	v26 =	vadd.f32 v26, v30;
	v47 =	vmul.f32 v16, v13  }
0x1be: {  	v54 =	vld.idx.msk [tilespmem:v6+s13+$0x0], $0xffff;
	v0 =	vadd.f32 v0, v5;
	v58 =	vadd.f32 v3, v8;
	v50 =	vmul.f32 v18, v2  }
0x1bf: {  	v55 =	vld.idx.msk [tilespmem:v6+s14+$0x0], $0xffff;
	v49 =	vadd.f32 v12, v43;
	v1 =	vadd.f32 v47, v45;
	v53 =	vmul.f32 v25, v2  }
0x1c0: {  	[tilespmem:s30+$0x0] =	vst v15;
	v12 =	vadd.f32 v50, v26;
	v56 =	vmul.f32 v10, v2;
	v57 =	vmul.f32 v44, v19  }
0x1c1: {  	[tilespmem:s30+$0xFFFFFBF0] =	vst v52;
	v59 =	vmul.f32 v46, v19;
	v7 =	vmul.f32 v48, v19;
	v9 =	vadd.f32 v53, v49  }
0x1c2: {  	[tilespmem:s30+$0xFFFFFFF0] =	vst v17;
	v60 =	vmul.f32 v51, v23;
	v1 =	vadd.f32 v56, v1;
	v5 =	vadd.f32 v57, v12  }
0x1c3: {  	v4 =	vadd.f32 v4, v11;
	[tilespmem:s30+$0x3F0] =	vst v0;
	v62 =	vmul.f32 v54, v23;
	v61 =	vadd.f32 v59, v9  }
0x1c4: {  	p0 =	seq.s32 s26, $0x3F;
	[tilespmem:s0+$0xFFFFFC00] =	vst v58;
	v63 =	vmul.f32 v55, v23;
	v1 =	vadd.f32 v7, v1;
	v5 =	vadd.f32 v60, v5  }
.Ltmp7:
0x1c5: {  	[tilespmem:s0+$0x0] =	vst v4;
	v0 =	vadd.f32 v62, v61;
	(pc) =	sbr.rel @p0 .LBB2_12-.Ltmp7, $4  }
0x1c6: {  	[tilespmem:s0+$0xFFFFFBF0] =	vst v5;
	v1 =	vadd.f32 v63, v1  }
0x1c7: {  	s1 =	sadd.s32 s29, s4;
	[tilespmem:s0+$0xFFFFFFF0] =	vst v0  }
0x1c8: {  	s31 =	sadd.s32 $0x80, s1;
	[tilespmem:s0+$0x3F0] =	vst v1  }
0x1c9: {  	[hbm4b:s31+s15] =	stream.strided.scatter [tilespmem:s24], [sflag:$0x4], $0xC00, s16, s15, $0x38;
	[tilespmem:$0x1D580] =	vst v63  }
0x1ca: {  	s0 =	sadd.s32 $0x3, s28  }
0x1cb: {  	s1 =	sshrl.u32 s0, $0x2  }
0x1cc: {  	s1 =	sadd.s32 s7, s1  }
0x1cd: {  	s0 =	sshll.u32 s0, $0xA;
	s1 =	sshll.u32 s1, $0xC  }
.Ltmp8:
0x1ce: {  	s0 =	sand.u32 $0xC00, s0;
	s1 =	sadd.s32 s6, s1;
	(pc) =	sbr.rel .LBB2_2-.Ltmp8, $4  }
0x1cf: {  	s0 =	sor.u32 s0, s1  }
0x1d0: {  	s0 =	sshrl.u32 s0, $0x3  }
0x1d1: {  	s26 =	sadd.s32 $0x1, s26;
	s0 =	sadd.s32 s3, s0  }
0x1d2: {  	[tilespmem:s18], [sflag:$0x2] =	stream.strided.gather [hbm4b:s0+s15], $0xC00, s16, s15, $0x38;
	[tilespmem:$0x1D580] =	vst v63  }
.LBB2_13:
0x1d3: {  	_ =	sfence.sel $0x180000  }
0x1d4: {  	[bflag:$0x0] =	sbarrier.arrive $0xFFFF  }
0x1d5: {  	_ =	strace $0x90000047  }
0x1d6: {  	s0 =	stileid.u32;
	[bflag:$0x2] =	sbarrier.arrive $0xFFFF  }
0x1d7: {  	p0 =	sne.s32 s0, $0x0;
	s0 =	rddreg [dreg:$0x3]  }
0x1d8: {  	s0 =	sadd.s32 @!p0 $0x100000, s0  }
0x1d9: {  	[sflag:s0] =	ssyncadd.tile.s32 @!p0 $0x1;
	_ =	shalt  }
.Lfunc_end2:
_tile_overlayer_lowered:
.L_overlay_start_2:
0x1da: {  	(tag) =	ssettag $0x2  }
0x1db: {  	s0 =	rddreg [dreg:$0x0];
	s2 =	stileid.u32  }
0x1dc: {  	s1 =	rddreg [dreg:$0x1];
	p0 =	sne.s32 s2, $0x0  }
0x1dd: {  	s3 =	rddreg [dreg:$0x2];
	[bflag:$0x3] =	sbarrier.arrive $0xFFFF;
	s2 =	simm.s32 @!p0 $0x1C05  }
0x1de: {  	[timem:s3], [sflag:s2] =	dma.local @!p0 [hbm:s0], s1  }
0x1df: {  	s0 =	simm.s32 @!p0 $0x5  }
0x1e0: {  	_ =	swait.ge @!p0 [sflag:s0], s1  }
0x1e1: {  	s1 =	ssub.s32 @!p0 $0x0, s1;
	[sflag:s0] =	ssyncset.done @!p0 $0x0  }
0x1e2: {  	[sflag:s0] =	ssyncadd.s32 @!p0 s1  }
0x1e3: {  	[bflag:$0x3] =	sbarrier.arrive $0xFFFF  }
0x1e4: {  	_ =	shalt  }

</sc_bundles>
